<compile_context>
chip_gen: v7x
topology: tpu7x:2x2x1
jax: 0.10.2.dev20260603
libtpu: 0.0.44.dev20260713+nightly
codegen_flags: <defaults>
</compile_context>

<pallas_src>
import functools

import jax
import jax.numpy as jnp
from jax import lax
from jax.experimental import pallas as pl
from jax.experimental.pallas import tpu as pltpu
from jax.experimental.pallas import tpu_sc as plsc

ROWS = 128
COLS = 100000
NUM_ALLOWED = 64
STRIDE = 1000
LANES = 16
NUM_CORES = 2
NUM_SUBCORES = 16
NUM_TILES = NUM_CORES * NUM_SUBCORES
ROWS_PER_TILE = ROWS // NUM_TILES
FILL_UNROLL = 10


def _restrict_body(scores_hbm, out_hbm, idx2d, vals2d, row_buf,
                   sem_g, sem_f, sem_s):
    wid = lax.axis_index("s") * NUM_CORES + lax.axis_index("c")

    neg_inf = jnp.full((LANES,), -jnp.inf, dtype=jnp.float32)
    lane_iota = lax.iota(jnp.int32, LANES)

    for r in range(ROWS_PER_TILE):
        base = (wid * ROWS_PER_TILE + r) * COLS
        for g in range(NUM_ALLOWED // LANES):
            idx2d[r, pl.ds(g * LANES, LANES)] = (
                base + (lane_iota + g * LANES) * STRIDE
            )

    gathers = [
        pltpu.async_copy(scores_hbm.at[idx2d.at[r]], vals2d.at[r], sem_g)
        for r in range(ROWS_PER_TILE)
    ]

    def fill_body(i, carry):
        for j in range(FILL_UNROLL):
            row_buf[pl.ds((i * FILL_UNROLL + j) * LANES, LANES)] = neg_inf
        return carry

    lax.fori_loop(0, COLS // (LANES * FILL_UNROLL), fill_body, 0)

    fills = [
        pltpu.async_copy(
            row_buf,
            out_hbm.at[pl.ds((wid * ROWS_PER_TILE + r) * COLS, COLS)],
            sem_f,
        )
        for r in range(ROWS_PER_TILE)
    ]
    for c in gathers:
        c.wait()
    for c in fills:
        c.wait()

    scatters = [
        pltpu.async_copy(vals2d.at[r], out_hbm.at[idx2d.at[r]], sem_s)
        for r in range(ROWS_PER_TILE)
    ]
    for c in scatters:
        c.wait()


@jax.jit
def kernel(input_ids, scores):
    del input_ids
    scores_flat = scores.reshape(ROWS * COLS)
    mesh = plsc.VectorSubcoreMesh(core_axis_name="c", subcore_axis_name="s")
    run = functools.partial(
        pl.kernel,
        mesh=mesh,
        out_type=jax.ShapeDtypeStruct((ROWS * COLS,), jnp.float32),
        scratch_types=[
            pltpu.VMEM((ROWS_PER_TILE, NUM_ALLOWED), jnp.int32),
            pltpu.VMEM((ROWS_PER_TILE, NUM_ALLOWED), jnp.float32),
            pltpu.VMEM((COLS,), jnp.float32),
            pltpu.SemaphoreType.DMA,
            pltpu.SemaphoreType.DMA,
            pltpu.SemaphoreType.DMA,
        ],
    )(_restrict_body)
    out_flat = run(scores_flat)
    return out_flat.reshape(ROWS, COLS)

# --- scband reference (transcript-rebuilt; emitter-appended) ---
"""Pipeline reference for scband-restrict-tokens-processor-24515673325926 (READ-ONLY COPY).

The authoritative reference and input builder live on the scoring server;
editing this copy changes nothing except your own understanding.
"""

import jax, jax.numpy as jnp
import numpy as np

ALLOWED_TOKEN_IDS = [i * 1000 for i in range(64)]


def setup_inputs(seed: int = 0) -> dict:
    key = jax.random.key(seed)
    k1, k2 = jax.random.split(key)
    input_ids = jax.random.randint(k1, (128, 32), 0, 100000, dtype=jnp.int64 if jax.config.jax_enable_x64 else jnp.int32)
    scores = jax.random.normal(k2, (128, 100000), dtype=jnp.float32)
    return {"input_ids": input_ids, "scores": scores}


def reference(input_ids, scores):
    allowed = jnp.asarray(ALLOWED_TOKEN_IDS, dtype=jnp.int32)
    mask = jnp.full_like(scores, -jnp.inf)
    # gather the allowed columns from scores, scatter-overwrite into the -inf mask
    gathered = jnp.take(scores, allowed, axis=1)
    mask = mask.at[:, allowed].set(gathered)
    return mask

if __name__ == "__main__":
    import jax
    _d = setup_inputs()
    print(jax.jit(kernel)(*tuple(_d.values())))

</pallas_src>

<mosaic_0001>
#map = affine_map<(d0, d1) -> (0)>
module attributes {stable_mosaic.version = 14 : i64} {
  func.func @_restrict_body(%arg0: i32, %arg1: i32, %arg2: memref<12800000xf32, #tpu.memory_space<hbm>>, %arg3: memref<12800000xf32, #tpu.memory_space<hbm>>, %arg4: memref<4x64xi32, #tpu.memory_space<vmem>>, %arg5: memref<4x64xf32, #tpu.memory_space<vmem>>, %arg6: memref<100000xf32, #tpu.memory_space<vmem>>, %arg7: memref<!tpu.dma_semaphore, #tpu.memory_space<semaphore_mem>>, %arg8: memref<!tpu.dma_semaphore, #tpu.memory_space<semaphore_mem>>, %arg9: memref<!tpu.dma_semaphore, #tpu.memory_space<semaphore_mem>>) attributes {dimension_semantics = [#tpu.dimension_semantics<core_parallel>, #tpu.dimension_semantics<subcore_parallel>], iteration_bounds = array<i64: 2, 16>, scalar_prefetch = 0 : i64, scratch_operands = 6 : i64, tpu.core_type = #tpu.core_type<sc_vector_subcore>, window_params = [{transform_indices = #map}, {transform_indices = #map}]} {
    %mul3A = arith.constant 2 : i32
    %mul3A_0 = arith.muli %arg1, %mul3A : i32
    %add3A = arith.addi %mul3A_0, %arg0 : i32
    %broadcast_in_dim3A = arith.constant 0xFF800000 : f32
    %broadcast_in_dim3A_1 = vector.broadcast %broadcast_in_dim3A : f32 to vector<16xf32>
    %iota3A = tpu.iota {dimensions = array<i32: 0>} : vector<16xi32>
    %mul3A_2 = arith.constant 4 : i32
    %mul3A_3 = arith.muli %add3A, %mul3A_2 : i32
    %add3A_4 = arith.constant 0 : i32
    %add3A_5 = arith.addi %mul3A_3, %add3A_4 : i32
    %mul3A_6 = arith.constant 100000 : i32
    %mul3A_7 = arith.muli %add3A_5, %mul3A_6 : i32
    %add3A_8 = arith.constant 0 : i32
    %add3A_9 = vector.broadcast %add3A_8 : i32 to vector<16xi32>
    %add3A_10 = arith.addi %iota3A, %add3A_9 : vector<16xi32>
    %mul3A_11 = arith.constant 1000 : i32
    %mul3A_12 = vector.broadcast %mul3A_11 : i32 to vector<16xi32>
    %mul3A_13 = arith.muli %add3A_10, %mul3A_12 : vector<16xi32>
    %add3A_14 = vector.broadcast %mul3A_7 : i32 to vector<16xi32>
    %add3A_15 = arith.addi %add3A_14, %mul3A_13 : vector<16xi32>
    %swap3A = arith.constant 0 : i32
    %swap3A_16 = arith.index_cast %swap3A : i32 to index
    %swap3A_17 = arith.constant 0 : index
    %swap3A_18 = tpu.vector_load %arg4[%swap3A_16, %swap3A_17] {strides = array<i32>} : memref<4x64xi32, #tpu.memory_space<vmem>>, vector<1x16xi32>,
    %swap3A_19 = vector.shape_cast %swap3A_18 : vector<1x16xi32> to vector<16xi32>
    %swap3A_20 = vector.shape_cast %add3A_15 : vector<16xi32> to vector<1x16xi32>
    tpu.vector_store %arg4[%swap3A_16, %swap3A_17], %swap3A_20 {strides = array<i32>} : memref<4x64xi32, #tpu.memory_space<vmem>>, vector<1x16xi32>,
    %add3A_21 = arith.constant 16 : i32
    %add3A_22 = vector.broadcast %add3A_21 : i32 to vector<16xi32>
    %add3A_23 = arith.addi %iota3A, %add3A_22 : vector<16xi32>
    %mul3A_24 = arith.constant 1000 : i32
    %mul3A_25 = vector.broadcast %mul3A_24 : i32 to vector<16xi32>
    %mul3A_26 = arith.muli %add3A_23, %mul3A_25 : vector<16xi32>
    %add3A_27 = vector.broadcast %mul3A_7 : i32 to vector<16xi32>
    %add3A_28 = arith.addi %add3A_27, %mul3A_26 : vector<16xi32>
    %swap3A_29 = arith.constant 0 : i32
    %swap3A_30 = arith.index_cast %swap3A_29 : i32 to index
    %swap3A_31 = arith.constant 16 : index
    %swap3A_32 = tpu.vector_load %arg4[%swap3A_30, %swap3A_31] {strides = array<i32>} : memref<4x64xi32, #tpu.memory_space<vmem>>, vector<1x16xi32>,
    %swap3A_33 = vector.shape_cast %swap3A_32 : vector<1x16xi32> to vector<16xi32>
    %swap3A_34 = vector.shape_cast %add3A_28 : vector<16xi32> to vector<1x16xi32>
    tpu.vector_store %arg4[%swap3A_30, %swap3A_31], %swap3A_34 {strides = array<i32>} : memref<4x64xi32, #tpu.memory_space<vmem>>, vector<1x16xi32>,
    %add3A_35 = arith.constant 32 : i32
    %add3A_36 = vector.broadcast %add3A_35 : i32 to vector<16xi32>
    %add3A_37 = arith.addi %iota3A, %add3A_36 : vector<16xi32>
    %mul3A_38 = arith.constant 1000 : i32
    %mul3A_39 = vector.broadcast %mul3A_38 : i32 to vector<16xi32>
    %mul3A_40 = arith.muli %add3A_37, %mul3A_39 : vector<16xi32>
    %add3A_41 = vector.broadcast %mul3A_7 : i32 to vector<16xi32>
    %add3A_42 = arith.addi %add3A_41, %mul3A_40 : vector<16xi32>
    %swap3A_43 = arith.constant 0 : i32
    %swap3A_44 = arith.index_cast %swap3A_43 : i32 to index
    %swap3A_45 = arith.constant 32 : index
    %swap3A_46 = tpu.vector_load %arg4[%swap3A_44, %swap3A_45] {strides = array<i32>} : memref<4x64xi32, #tpu.memory_space<vmem>>, vector<1x16xi32>,
    %swap3A_47 = vector.shape_cast %swap3A_46 : vector<1x16xi32> to vector<16xi32>
    %swap3A_48 = vector.shape_cast %add3A_42 : vector<16xi32> to vector<1x16xi32>
    tpu.vector_store %arg4[%swap3A_44, %swap3A_45], %swap3A_48 {strides = array<i32>} : memref<4x64xi32, #tpu.memory_space<vmem>>, vector<1x16xi32>,
    %add3A_49 = arith.constant 48 : i32
    %add3A_50 = vector.broadcast %add3A_49 : i32 to vector<16xi32>
    %add3A_51 = arith.addi %iota3A, %add3A_50 : vector<16xi32>
    %mul3A_52 = arith.constant 1000 : i32
    %mul3A_53 = vector.broadcast %mul3A_52 : i32 to vector<16xi32>
    %mul3A_54 = arith.muli %add3A_51, %mul3A_53 : vector<16xi32>
    %add3A_55 = vector.broadcast %mul3A_7 : i32 to vector<16xi32>
    %add3A_56 = arith.addi %add3A_55, %mul3A_54 : vector<16xi32>
    %swap3A_57 = arith.constant 0 : i32
    %swap3A_58 = arith.index_cast %swap3A_57 : i32 to index
    %swap3A_59 = arith.constant 48 : index
    %swap3A_60 = tpu.vector_load %arg4[%swap3A_58, %swap3A_59] {strides = array<i32>} : memref<4x64xi32, #tpu.memory_space<vmem>>, vector<1x16xi32>,
    %swap3A_61 = vector.shape_cast %swap3A_60 : vector<1x16xi32> to vector<16xi32>
    %swap3A_62 = vector.shape_cast %add3A_56 : vector<16xi32> to vector<1x16xi32>
    tpu.vector_store %arg4[%swap3A_58, %swap3A_59], %swap3A_62 {strides = array<i32>} : memref<4x64xi32, #tpu.memory_space<vmem>>, vector<1x16xi32>,
    %mul3A_63 = arith.constant 4 : i32
    %mul3A_64 = arith.muli %add3A, %mul3A_63 : i32
    %add3A_65 = arith.constant 1 : i32
    %add3A_66 = arith.addi %mul3A_64, %add3A_65 : i32
    %mul3A_67 = arith.constant 100000 : i32
    %mul3A_68 = arith.muli %add3A_66, %mul3A_67 : i32
    %add3A_69 = arith.constant 0 : i32
    %add3A_70 = vector.broadcast %add3A_69 : i32 to vector<16xi32>
    %add3A_71 = arith.addi %iota3A, %add3A_70 : vector<16xi32>
    %mul3A_72 = arith.constant 1000 : i32
    %mul3A_73 = vector.broadcast %mul3A_72 : i32 to vector<16xi32>
    %mul3A_74 = arith.muli %add3A_71, %mul3A_73 : vector<16xi32>
    %add3A_75 = vector.broadcast %mul3A_68 : i32 to vector<16xi32>
    %add3A_76 = arith.addi %add3A_75, %mul3A_74 : vector<16xi32>
    %swap3A_77 = arith.constant 1 : i32
    %swap3A_78 = arith.index_cast %swap3A_77 : i32 to index
    %swap3A_79 = arith.constant 0 : index
    %swap3A_80 = tpu.vector_load %arg4[%swap3A_78, %swap3A_79] {strides = array<i32>} : memref<4x64xi32, #tpu.memory_space<vmem>>, vector<1x16xi32>,
    %swap3A_81 = vector.shape_cast %swap3A_80 : vector<1x16xi32> to vector<16xi32>
    %swap3A_82 = vector.shape_cast %add3A_76 : vector<16xi32> to vector<1x16xi32>
    tpu.vector_store %arg4[%swap3A_78, %swap3A_79], %swap3A_82 {strides = array<i32>} : memref<4x64xi32, #tpu.memory_space<vmem>>, vector<1x16xi32>,
    %add3A_83 = arith.constant 16 : i32
    %add3A_84 = vector.broadcast %add3A_83 : i32 to vector<16xi32>
    %add3A_85 = arith.addi %iota3A, %add3A_84 : vector<16xi32>
    %mul3A_86 = arith.constant 1000 : i32
    %mul3A_87 = vector.broadcast %mul3A_86 : i32 to vector<16xi32>
    %mul3A_88 = arith.muli %add3A_85, %mul3A_87 : vector<16xi32>
    %add3A_89 = vector.broadcast %mul3A_68 : i32 to vector<16xi32>
    %add3A_90 = arith.addi %add3A_89, %mul3A_88 : vector<16xi32>
    %swap3A_91 = arith.constant 1 : i32
    %swap3A_92 = arith.index_cast %swap3A_91 : i32 to index
    %swap3A_93 = arith.constant 16 : index
    %swap3A_94 = tpu.vector_load %arg4[%swap3A_92, %swap3A_93] {strides = array<i32>} : memref<4x64xi32, #tpu.memory_space<vmem>>, vector<1x16xi32>,
    %swap3A_95 = vector.shape_cast %swap3A_94 : vector<1x16xi32> to vector<16xi32>
    %swap3A_96 = vector.shape_cast %add3A_90 : vector<16xi32> to vector<1x16xi32>
    tpu.vector_store %arg4[%swap3A_92, %swap3A_93], %swap3A_96 {strides = array<i32>} : memref<4x64xi32, #tpu.memory_space<vmem>>, vector<1x16xi32>,
    %add3A_97 = arith.constant 32 : i32
    %add3A_98 = vector.broadcast %add3A_97 : i32 to vector<16xi32>
    %add3A_99 = arith.addi %iota3A, %add3A_98 : vector<16xi32>
    %mul3A_100 = arith.constant 1000 : i32
    %mul3A_101 = vector.broadcast %mul3A_100 : i32 to vector<16xi32>
    %mul3A_102 = arith.muli %add3A_99, %mul3A_101 : vector<16xi32>
    %add3A_103 = vector.broadcast %mul3A_68 : i32 to vector<16xi32>
    %add3A_104 = arith.addi %add3A_103, %mul3A_102 : vector<16xi32>
    %swap3A_105 = arith.constant 1 : i32
    %swap3A_106 = arith.index_cast %swap3A_105 : i32 to index
    %swap3A_107 = arith.constant 32 : index
    %swap3A_108 = tpu.vector_load %arg4[%swap3A_106, %swap3A_107] {strides = array<i32>} : memref<4x64xi32, #tpu.memory_space<vmem>>, vector<1x16xi32>,
    %swap3A_109 = vector.shape_cast %swap3A_108 : vector<1x16xi32> to vector<16xi32>
    %swap3A_110 = vector.shape_cast %add3A_104 : vector<16xi32> to vector<1x16xi32>
    tpu.vector_store %arg4[%swap3A_106, %swap3A_107], %swap3A_110 {strides = array<i32>} : memref<4x64xi32, #tpu.memory_space<vmem>>, vector<1x16xi32>,
    %add3A_111 = arith.constant 48 : i32
    %add3A_112 = vector.broadcast %add3A_111 : i32 to vector<16xi32>
    %add3A_113 = arith.addi %iota3A, %add3A_112 : vector<16xi32>
    %mul3A_114 = arith.constant 1000 : i32
    %mul3A_115 = vector.broadcast %mul3A_114 : i32 to vector<16xi32>
    %mul3A_116 = arith.muli %add3A_113, %mul3A_115 : vector<16xi32>
    %add3A_117 = vector.broadcast %mul3A_68 : i32 to vector<16xi32>
    %add3A_118 = arith.addi %add3A_117, %mul3A_116 : vector<16xi32>
    %swap3A_119 = arith.constant 1 : i32
    %swap3A_120 = arith.index_cast %swap3A_119 : i32 to index
    %swap3A_121 = arith.constant 48 : index
    %swap3A_122 = tpu.vector_load %arg4[%swap3A_120, %swap3A_121] {strides = array<i32>} : memref<4x64xi32, #tpu.memory_space<vmem>>, vector<1x16xi32>,
    %swap3A_123 = vector.shape_cast %swap3A_122 : vector<1x16xi32> to vector<16xi32>
    %swap3A_124 = vector.shape_cast %add3A_118 : vector<16xi32> to vector<1x16xi32>
    tpu.vector_store %arg4[%swap3A_120, %swap3A_121], %swap3A_124 {strides = array<i32>} : memref<4x64xi32, #tpu.memory_space<vmem>>, vector<1x16xi32>,
    %mul3A_125 = arith.constant 4 : i32
    %mul3A_126 = arith.muli %add3A, %mul3A_125 : i32
    %add3A_127 = arith.constant 2 : i32
    %add3A_128 = arith.addi %mul3A_126, %add3A_127 : i32
    %mul3A_129 = arith.constant 100000 : i32
    %mul3A_130 = arith.muli %add3A_128, %mul3A_129 : i32
    %add3A_131 = arith.constant 0 : i32
    %add3A_132 = vector.broadcast %add3A_131 : i32 to vector<16xi32>
    %add3A_133 = arith.addi %iota3A, %add3A_132 : vector<16xi32>
    %mul3A_134 = arith.constant 1000 : i32
    %mul3A_135 = vector.broadcast %mul3A_134 : i32 to vector<16xi32>
    %mul3A_136 = arith.muli %add3A_133, %mul3A_135 : vector<16xi32>
    %add3A_137 = vector.broadcast %mul3A_130 : i32 to vector<16xi32>
    %add3A_138 = arith.addi %add3A_137, %mul3A_136 : vector<16xi32>
    %swap3A_139 = arith.constant 2 : i32
    %swap3A_140 = arith.index_cast %swap3A_139 : i32 to index
    %swap3A_141 = arith.constant 0 : index
    %swap3A_142 = tpu.vector_load %arg4[%swap3A_140, %swap3A_141] {strides = array<i32>} : memref<4x64xi32, #tpu.memory_space<vmem>>, vector<1x16xi32>,
    %swap3A_143 = vector.shape_cast %swap3A_142 : vector<1x16xi32> to vector<16xi32>
    %swap3A_144 = vector.shape_cast %add3A_138 : vector<16xi32> to vector<1x16xi32>
    tpu.vector_store %arg4[%swap3A_140, %swap3A_141], %swap3A_144 {strides = array<i32>} : memref<4x64xi32, #tpu.memory_space<vmem>>, vector<1x16xi32>,
    %add3A_145 = arith.constant 16 : i32
    %add3A_146 = vector.broadcast %add3A_145 : i32 to vector<16xi32>
    %add3A_147 = arith.addi %iota3A, %add3A_146 : vector<16xi32>
    %mul3A_148 = arith.constant 1000 : i32
    %mul3A_149 = vector.broadcast %mul3A_148 : i32 to vector<16xi32>
    %mul3A_150 = arith.muli %add3A_147, %mul3A_149 : vector<16xi32>
    %add3A_151 = vector.broadcast %mul3A_130 : i32 to vector<16xi32>
    %add3A_152 = arith.addi %add3A_151, %mul3A_150 : vector<16xi32>
    %swap3A_153 = arith.constant 2 : i32
    %swap3A_154 = arith.index_cast %swap3A_153 : i32 to index
    %swap3A_155 = arith.constant 16 : index
    %swap3A_156 = tpu.vector_load %arg4[%swap3A_154, %swap3A_155] {strides = array<i32>} : memref<4x64xi32, #tpu.memory_space<vmem>>, vector<1x16xi32>,
    %swap3A_157 = vector.shape_cast %swap3A_156 : vector<1x16xi32> to vector<16xi32>
    %swap3A_158 = vector.shape_cast %add3A_152 : vector<16xi32> to vector<1x16xi32>
    tpu.vector_store %arg4[%swap3A_154, %swap3A_155], %swap3A_158 {strides = array<i32>} : memref<4x64xi32, #tpu.memory_space<vmem>>, vector<1x16xi32>,
    %add3A_159 = arith.constant 32 : i32
    %add3A_160 = vector.broadcast %add3A_159 : i32 to vector<16xi32>
    %add3A_161 = arith.addi %iota3A, %add3A_160 : vector<16xi32>
    %mul3A_162 = arith.constant 1000 : i32
    %mul3A_163 = vector.broadcast %mul3A_162 : i32 to vector<16xi32>
    %mul3A_164 = arith.muli %add3A_161, %mul3A_163 : vector<16xi32>
    %add3A_165 = vector.broadcast %mul3A_130 : i32 to vector<16xi32>
    %add3A_166 = arith.addi %add3A_165, %mul3A_164 : vector<16xi32>
    %swap3A_167 = arith.constant 2 : i32
    %swap3A_168 = arith.index_cast %swap3A_167 : i32 to index
    %swap3A_169 = arith.constant 32 : index
    %swap3A_170 = tpu.vector_load %arg4[%swap3A_168, %swap3A_169] {strides = array<i32>} : memref<4x64xi32, #tpu.memory_space<vmem>>, vector<1x16xi32>,
    %swap3A_171 = vector.shape_cast %swap3A_170 : vector<1x16xi32> to vector<16xi32>
    %swap3A_172 = vector.shape_cast %add3A_166 : vector<16xi32> to vector<1x16xi32>
    tpu.vector_store %arg4[%swap3A_168, %swap3A_169], %swap3A_172 {strides = array<i32>} : memref<4x64xi32, #tpu.memory_space<vmem>>, vector<1x16xi32>,
    %add3A_173 = arith.constant 48 : i32
    %add3A_174 = vector.broadcast %add3A_173 : i32 to vector<16xi32>
    %add3A_175 = arith.addi %iota3A, %add3A_174 : vector<16xi32>
    %mul3A_176 = arith.constant 1000 : i32
    %mul3A_177 = vector.broadcast %mul3A_176 : i32 to vector<16xi32>
    %mul3A_178 = arith.muli %add3A_175, %mul3A_177 : vector<16xi32>
    %add3A_179 = vector.broadcast %mul3A_130 : i32 to vector<16xi32>
    %add3A_180 = arith.addi %add3A_179, %mul3A_178 : vector<16xi32>
    %swap3A_181 = arith.constant 2 : i32
    %swap3A_182 = arith.index_cast %swap3A_181 : i32 to index
    %swap3A_183 = arith.constant 48 : index
    %swap3A_184 = tpu.vector_load %arg4[%swap3A_182, %swap3A_183] {strides = array<i32>} : memref<4x64xi32, #tpu.memory_space<vmem>>, vector<1x16xi32>,
    %swap3A_185 = vector.shape_cast %swap3A_184 : vector<1x16xi32> to vector<16xi32>
    %swap3A_186 = vector.shape_cast %add3A_180 : vector<16xi32> to vector<1x16xi32>
    tpu.vector_store %arg4[%swap3A_182, %swap3A_183], %swap3A_186 {strides = array<i32>} : memref<4x64xi32, #tpu.memory_space<vmem>>, vector<1x16xi32>,
    %mul3A_187 = arith.constant 4 : i32
    %mul3A_188 = arith.muli %add3A, %mul3A_187 : i32
    %add3A_189 = arith.constant 3 : i32
    %add3A_190 = arith.addi %mul3A_188, %add3A_189 : i32
    %mul3A_191 = arith.constant 100000 : i32
    %mul3A_192 = arith.muli %add3A_190, %mul3A_191 : i32
    %add3A_193 = arith.constant 0 : i32
    %add3A_194 = vector.broadcast %add3A_193 : i32 to vector<16xi32>
    %add3A_195 = arith.addi %iota3A, %add3A_194 : vector<16xi32>
    %mul3A_196 = arith.constant 1000 : i32
    %mul3A_197 = vector.broadcast %mul3A_196 : i32 to vector<16xi32>
    %mul3A_198 = arith.muli %add3A_195, %mul3A_197 : vector<16xi32>
    %add3A_199 = vector.broadcast %mul3A_192 : i32 to vector<16xi32>
    %add3A_200 = arith.addi %add3A_199, %mul3A_198 : vector<16xi32>
    %swap3A_201 = arith.constant 3 : i32
    %swap3A_202 = arith.index_cast %swap3A_201 : i32 to index
    %swap3A_203 = arith.constant 0 : index
    %swap3A_204 = tpu.vector_load %arg4[%swap3A_202, %swap3A_203] {strides = array<i32>} : memref<4x64xi32, #tpu.memory_space<vmem>>, vector<1x16xi32>,
    %swap3A_205 = vector.shape_cast %swap3A_204 : vector<1x16xi32> to vector<16xi32>
    %swap3A_206 = vector.shape_cast %add3A_200 : vector<16xi32> to vector<1x16xi32>
    tpu.vector_store %arg4[%swap3A_202, %swap3A_203], %swap3A_206 {strides = array<i32>} : memref<4x64xi32, #tpu.memory_space<vmem>>, vector<1x16xi32>,
    %add3A_207 = arith.constant 16 : i32
    %add3A_208 = vector.broadcast %add3A_207 : i32 to vector<16xi32>
    %add3A_209 = arith.addi %iota3A, %add3A_208 : vector<16xi32>
    %mul3A_210 = arith.constant 1000 : i32
    %mul3A_211 = vector.broadcast %mul3A_210 : i32 to vector<16xi32>
    %mul3A_212 = arith.muli %add3A_209, %mul3A_211 : vector<16xi32>
    %add3A_213 = vector.broadcast %mul3A_192 : i32 to vector<16xi32>
    %add3A_214 = arith.addi %add3A_213, %mul3A_212 : vector<16xi32>
    %swap3A_215 = arith.constant 3 : i32
    %swap3A_216 = arith.index_cast %swap3A_215 : i32 to index
    %swap3A_217 = arith.constant 16 : index
    %swap3A_218 = tpu.vector_load %arg4[%swap3A_216, %swap3A_217] {strides = array<i32>} : memref<4x64xi32, #tpu.memory_space<vmem>>, vector<1x16xi32>,
    %swap3A_219 = vector.shape_cast %swap3A_218 : vector<1x16xi32> to vector<16xi32>
    %swap3A_220 = vector.shape_cast %add3A_214 : vector<16xi32> to vector<1x16xi32>
    tpu.vector_store %arg4[%swap3A_216, %swap3A_217], %swap3A_220 {strides = array<i32>} : memref<4x64xi32, #tpu.memory_space<vmem>>, vector<1x16xi32>,
    %add3A_221 = arith.constant 32 : i32
    %add3A_222 = vector.broadcast %add3A_221 : i32 to vector<16xi32>
    %add3A_223 = arith.addi %iota3A, %add3A_222 : vector<16xi32>
    %mul3A_224 = arith.constant 1000 : i32
    %mul3A_225 = vector.broadcast %mul3A_224 : i32 to vector<16xi32>
    %mul3A_226 = arith.muli %add3A_223, %mul3A_225 : vector<16xi32>
    %add3A_227 = vector.broadcast %mul3A_192 : i32 to vector<16xi32>
    %add3A_228 = arith.addi %add3A_227, %mul3A_226 : vector<16xi32>
    %swap3A_229 = arith.constant 3 : i32
    %swap3A_230 = arith.index_cast %swap3A_229 : i32 to index
    %swap3A_231 = arith.constant 32 : index
    %swap3A_232 = tpu.vector_load %arg4[%swap3A_230, %swap3A_231] {strides = array<i32>} : memref<4x64xi32, #tpu.memory_space<vmem>>, vector<1x16xi32>,
    %swap3A_233 = vector.shape_cast %swap3A_232 : vector<1x16xi32> to vector<16xi32>
    %swap3A_234 = vector.shape_cast %add3A_228 : vector<16xi32> to vector<1x16xi32>
    tpu.vector_store %arg4[%swap3A_230, %swap3A_231], %swap3A_234 {strides = array<i32>} : memref<4x64xi32, #tpu.memory_space<vmem>>, vector<1x16xi32>,
    %add3A_235 = arith.constant 48 : i32
    %add3A_236 = vector.broadcast %add3A_235 : i32 to vector<16xi32>
    %add3A_237 = arith.addi %iota3A, %add3A_236 : vector<16xi32>
    %mul3A_238 = arith.constant 1000 : i32
    %mul3A_239 = vector.broadcast %mul3A_238 : i32 to vector<16xi32>
    %mul3A_240 = arith.muli %add3A_237, %mul3A_239 : vector<16xi32>
    %add3A_241 = vector.broadcast %mul3A_192 : i32 to vector<16xi32>
    %add3A_242 = arith.addi %add3A_241, %mul3A_240 : vector<16xi32>
    %swap3A_243 = arith.constant 3 : i32
    %swap3A_244 = arith.index_cast %swap3A_243 : i32 to index
    %swap3A_245 = arith.constant 48 : index
    %swap3A_246 = tpu.vector_load %arg4[%swap3A_244, %swap3A_245] {strides = array<i32>} : memref<4x64xi32, #tpu.memory_space<vmem>>, vector<1x16xi32>,
    %swap3A_247 = vector.shape_cast %swap3A_246 : vector<1x16xi32> to vector<16xi32>
    %swap3A_248 = vector.shape_cast %add3A_242 : vector<16xi32> to vector<1x16xi32>
    tpu.vector_store %arg4[%swap3A_244, %swap3A_245], %swap3A_248 {strides = array<i32>} : memref<4x64xi32, #tpu.memory_space<vmem>>, vector<1x16xi32>,
    %dma_start3A = arith.constant 0 : i32
    %dma_start3A_249 = arith.constant 0 : i32
    %dma_start3A_250 = arith.constant 0 : i32
    %dma_start3A_251 = tpu.memref_slice %arg5[%dma_start3A_249, %dma_start3A_250] : memref<4x64xf32, #tpu.memory_space<vmem>> -> memref<1x64xf32, #tpu.memory_space<vmem>>
    %dma_start3A_252 = tpu.memref_squeeze %dma_start3A_251 : memref<1x64xf32, #tpu.memory_space<vmem>> -> memref<64xf32, #tpu.memory_space<vmem>>
    %dma_start3A_253 = arith.constant 0 : i32
    %dma_start3A_254 = tpu.memref_slice %arg4[%dma_start3A, %dma_start3A_253] : memref<4x64xi32, #tpu.memory_space<vmem>> -> memref<1x64xi32, #tpu.memory_space<vmem>>
    %dma_start3A_255 = tpu.memref_squeeze %dma_start3A_254 : memref<1x64xi32, #tpu.memory_space<vmem>> -> memref<64xi32, #tpu.memory_space<vmem>>
    %dma_start3A_256 = arith.constant 0 : i32
    %dma_start3A_257 = tpu.memref_slice %arg2[%dma_start3A_256] : memref<12800000xf32, #tpu.memory_space<hbm>> -> memref<12800000xf32, #tpu.memory_space<hbm>>
    tpu.enqueue_indirect_dma source(%dma_start3A_257 : memref<12800000xf32, #tpu.memory_space<hbm>>) target(%dma_start3A_252 : memref<64xf32, #tpu.memory_space<vmem>>) offsets(%dma_start3A_255 : memref<64xi32, #tpu.memory_space<vmem>>) semaphore(%arg7 : memref<!tpu.dma_semaphore, #tpu.memory_space<semaphore_mem>>)
    %dma_start3A_258 = arith.constant 1 : i32
    %dma_start3A_259 = arith.constant 1 : i32
    %dma_start3A_260 = arith.constant 0 : i32
    %dma_start3A_261 = tpu.memref_slice %arg5[%dma_start3A_259, %dma_start3A_260] : memref<4x64xf32, #tpu.memory_space<vmem>> -> memref<1x64xf32, #tpu.memory_space<vmem>>
    %dma_start3A_262 = tpu.memref_squeeze %dma_start3A_261 : memref<1x64xf32, #tpu.memory_space<vmem>> -> memref<64xf32, #tpu.memory_space<vmem>>
    %dma_start3A_263 = arith.constant 0 : i32
    %dma_start3A_264 = tpu.memref_slice %arg4[%dma_start3A_258, %dma_start3A_263] : memref<4x64xi32, #tpu.memory_space<vmem>> -> memref<1x64xi32, #tpu.memory_space<vmem>>
    %dma_start3A_265 = tpu.memref_squeeze %dma_start3A_264 : memref<1x64xi32, #tpu.memory_space<vmem>> -> memref<64xi32, #tpu.memory_space<vmem>>
    %dma_start3A_266 = arith.constant 0 : i32
    %dma_start3A_267 = tpu.memref_slice %arg2[%dma_start3A_266] : memref<12800000xf32, #tpu.memory_space<hbm>> -> memref<12800000xf32, #tpu.memory_space<hbm>>
    tpu.enqueue_indirect_dma source(%dma_start3A_267 : memref<12800000xf32, #tpu.memory_space<hbm>>) target(%dma_start3A_262 : memref<64xf32, #tpu.memory_space<vmem>>) offsets(%dma_start3A_265 : memref<64xi32, #tpu.memory_space<vmem>>) semaphore(%arg7 : memref<!tpu.dma_semaphore, #tpu.memory_space<semaphore_mem>>)
    %dma_start3A_268 = arith.constant 2 : i32
    %dma_start3A_269 = arith.constant 2 : i32
    %dma_start3A_270 = arith.constant 0 : i32
    %dma_start3A_271 = tpu.memref_slice %arg5[%dma_start3A_269, %dma_start3A_270] : memref<4x64xf32, #tpu.memory_space<vmem>> -> memref<1x64xf32, #tpu.memory_space<vmem>>
    %dma_start3A_272 = tpu.memref_squeeze %dma_start3A_271 : memref<1x64xf32, #tpu.memory_space<vmem>> -> memref<64xf32, #tpu.memory_space<vmem>>
    %dma_start3A_273 = arith.constant 0 : i32
    %dma_start3A_274 = tpu.memref_slice %arg4[%dma_start3A_268, %dma_start3A_273] : memref<4x64xi32, #tpu.memory_space<vmem>> -> memref<1x64xi32, #tpu.memory_space<vmem>>
    %dma_start3A_275 = tpu.memref_squeeze %dma_start3A_274 : memref<1x64xi32, #tpu.memory_space<vmem>> -> memref<64xi32, #tpu.memory_space<vmem>>
    %dma_start3A_276 = arith.constant 0 : i32
    %dma_start3A_277 = tpu.memref_slice %arg2[%dma_start3A_276] : memref<12800000xf32, #tpu.memory_space<hbm>> -> memref<12800000xf32, #tpu.memory_space<hbm>>
    tpu.enqueue_indirect_dma source(%dma_start3A_277 : memref<12800000xf32, #tpu.memory_space<hbm>>) target(%dma_start3A_272 : memref<64xf32, #tpu.memory_space<vmem>>) offsets(%dma_start3A_275 : memref<64xi32, #tpu.memory_space<vmem>>) semaphore(%arg7 : memref<!tpu.dma_semaphore, #tpu.memory_space<semaphore_mem>>)
    %dma_start3A_278 = arith.constant 3 : i32
    %dma_start3A_279 = arith.constant 3 : i32
    %dma_start3A_280 = arith.constant 0 : i32
    %dma_start3A_281 = tpu.memref_slice %arg5[%dma_start3A_279, %dma_start3A_280] : memref<4x64xf32, #tpu.memory_space<vmem>> -> memref<1x64xf32, #tpu.memory_space<vmem>>
    %dma_start3A_282 = tpu.memref_squeeze %dma_start3A_281 : memref<1x64xf32, #tpu.memory_space<vmem>> -> memref<64xf32, #tpu.memory_space<vmem>>
    %dma_start3A_283 = arith.constant 0 : i32
    %dma_start3A_284 = tpu.memref_slice %arg4[%dma_start3A_278, %dma_start3A_283] : memref<4x64xi32, #tpu.memory_space<vmem>> -> memref<1x64xi32, #tpu.memory_space<vmem>>
    %dma_start3A_285 = tpu.memref_squeeze %dma_start3A_284 : memref<1x64xi32, #tpu.memory_space<vmem>> -> memref<64xi32, #tpu.memory_space<vmem>>
    %dma_start3A_286 = arith.constant 0 : i32
    %dma_start3A_287 = tpu.memref_slice %arg2[%dma_start3A_286] : memref<12800000xf32, #tpu.memory_space<hbm>> -> memref<12800000xf32, #tpu.memory_space<hbm>>
    tpu.enqueue_indirect_dma source(%dma_start3A_287 : memref<12800000xf32, #tpu.memory_space<hbm>>) target(%dma_start3A_282 : memref<64xf32, #tpu.memory_space<vmem>>) offsets(%dma_start3A_285 : memref<64xi32, #tpu.memory_space<vmem>>) semaphore(%arg7 : memref<!tpu.dma_semaphore, #tpu.memory_space<semaphore_mem>>)
    %scan3A = arith.constant 0 : i32
    %scan3A_288 = arith.constant 0 : i32
    %scan3A_289 = arith.constant 625 : i32
    %scan3A_290 = arith.addi %scan3A_288, %scan3A_289 : i32
    %scan3A_291 = arith.constant 1 : i32
    scf.for %scan3A_452 = %scan3A_288 to %scan3A_290 step %scan3A_291  : i32 {
      %mul3A_453 = arith.constant 10 : i32
      %mul3A_454 = arith.muli %scan3A_452, %mul3A_453 : i32
      %add3A_455 = arith.constant 0 : i32
      %add3A_456 = arith.addi %mul3A_454, %add3A_455 : i32
      %mul3A_457 = arith.constant 16 : i32
      %mul3A_458 = arith.muli %add3A_456, %mul3A_457 : i32
      %swap3A_459 = arith.index_cast %mul3A_458 : i32 to index
      %swap3A_460 = tpu.vector_load %arg6[%swap3A_459] {strides = array<i32>} : memref<100000xf32, #tpu.memory_space<vmem>>, vector<16xf32>,
      %swap3A_461 = vector.shape_cast %swap3A_460 : vector<16xf32> to vector<16xf32>
      %swap3A_462 = vector.shape_cast %broadcast_in_dim3A_1 : vector<16xf32> to vector<16xf32>
      tpu.vector_store %arg6[%swap3A_459], %swap3A_462 {strides = array<i32>} : memref<100000xf32, #tpu.memory_space<vmem>>, vector<16xf32>,
      %mul3A_463 = arith.constant 10 : i32
      %mul3A_464 = arith.muli %scan3A_452, %mul3A_463 : i32
      %add3A_465 = arith.constant 1 : i32
      %add3A_466 = arith.addi %mul3A_464, %add3A_465 : i32
      %mul3A_467 = arith.constant 16 : i32
      %mul3A_468 = arith.muli %add3A_466, %mul3A_467 : i32
      %swap3A_469 = arith.index_cast %mul3A_468 : i32 to index
      %swap3A_470 = tpu.vector_load %arg6[%swap3A_469] {strides = array<i32>} : memref<100000xf32, #tpu.memory_space<vmem>>, vector<16xf32>,
      %swap3A_471 = vector.shape_cast %swap3A_470 : vector<16xf32> to vector<16xf32>
      %swap3A_472 = vector.shape_cast %broadcast_in_dim3A_1 : vector<16xf32> to vector<16xf32>
      tpu.vector_store %arg6[%swap3A_469], %swap3A_472 {strides = array<i32>} : memref<100000xf32, #tpu.memory_space<vmem>>, vector<16xf32>,
      %mul3A_473 = arith.constant 10 : i32
      %mul3A_474 = arith.muli %scan3A_452, %mul3A_473 : i32
      %add3A_475 = arith.constant 2 : i32
      %add3A_476 = arith.addi %mul3A_474, %add3A_475 : i32
      %mul3A_477 = arith.constant 16 : i32
      %mul3A_478 = arith.muli %add3A_476, %mul3A_477 : i32
      %swap3A_479 = arith.index_cast %mul3A_478 : i32 to index
      %swap3A_480 = tpu.vector_load %arg6[%swap3A_479] {strides = array<i32>} : memref<100000xf32, #tpu.memory_space<vmem>>, vector<16xf32>,
      %swap3A_481 = vector.shape_cast %swap3A_480 : vector<16xf32> to vector<16xf32>
      %swap3A_482 = vector.shape_cast %broadcast_in_dim3A_1 : vector<16xf32> to vector<16xf32>
      tpu.vector_store %arg6[%swap3A_479], %swap3A_482 {strides = array<i32>} : memref<100000xf32, #tpu.memory_space<vmem>>, vector<16xf32>,
      %mul3A_483 = arith.constant 10 : i32
      %mul3A_484 = arith.muli %scan3A_452, %mul3A_483 : i32
      %add3A_485 = arith.constant 3 : i32
      %add3A_486 = arith.addi %mul3A_484, %add3A_485 : i32
      %mul3A_487 = arith.constant 16 : i32
      %mul3A_488 = arith.muli %add3A_486, %mul3A_487 : i32
      %swap3A_489 = arith.index_cast %mul3A_488 : i32 to index
      %swap3A_490 = tpu.vector_load %arg6[%swap3A_489] {strides = array<i32>} : memref<100000xf32, #tpu.memory_space<vmem>>, vector<16xf32>,
      %swap3A_491 = vector.shape_cast %swap3A_490 : vector<16xf32> to vector<16xf32>
      %swap3A_492 = vector.shape_cast %broadcast_in_dim3A_1 : vector<16xf32> to vector<16xf32>
      tpu.vector_store %arg6[%swap3A_489], %swap3A_492 {strides = array<i32>} : memref<100000xf32, #tpu.memory_space<vmem>>, vector<16xf32>,
      %mul3A_493 = arith.constant 10 : i32
      %mul3A_494 = arith.muli %scan3A_452, %mul3A_493 : i32
      %add3A_495 = arith.constant 4 : i32
      %add3A_496 = arith.addi %mul3A_494, %add3A_495 : i32
      %mul3A_497 = arith.constant 16 : i32
      %mul3A_498 = arith.muli %add3A_496, %mul3A_497 : i32
      %swap3A_499 = arith.index_cast %mul3A_498 : i32 to index
      %swap3A_500 = tpu.vector_load %arg6[%swap3A_499] {strides = array<i32>} : memref<100000xf32, #tpu.memory_space<vmem>>, vector<16xf32>,
      %swap3A_501 = vector.shape_cast %swap3A_500 : vector<16xf32> to vector<16xf32>
      %swap3A_502 = vector.shape_cast %broadcast_in_dim3A_1 : vector<16xf32> to vector<16xf32>
      tpu.vector_store %arg6[%swap3A_499], %swap3A_502 {strides = array<i32>} : memref<100000xf32, #tpu.memory_space<vmem>>, vector<16xf32>,
      %mul3A_503 = arith.constant 10 : i32
      %mul3A_504 = arith.muli %scan3A_452, %mul3A_503 : i32
      %add3A_505 = arith.constant 5 : i32
      %add3A_506 = arith.addi %mul3A_504, %add3A_505 : i32
      %mul3A_507 = arith.constant 16 : i32
      %mul3A_508 = arith.muli %add3A_506, %mul3A_507 : i32
      %swap3A_509 = arith.index_cast %mul3A_508 : i32 to index
      %swap3A_510 = tpu.vector_load %arg6[%swap3A_509] {strides = array<i32>} : memref<100000xf32, #tpu.memory_space<vmem>>, vector<16xf32>,
      %swap3A_511 = vector.shape_cast %swap3A_510 : vector<16xf32> to vector<16xf32>
      %swap3A_512 = vector.shape_cast %broadcast_in_dim3A_1 : vector<16xf32> to vector<16xf32>
      tpu.vector_store %arg6[%swap3A_509], %swap3A_512 {strides = array<i32>} : memref<100000xf32, #tpu.memory_space<vmem>>, vector<16xf32>,
      %mul3A_513 = arith.constant 10 : i32
      %mul3A_514 = arith.muli %scan3A_452, %mul3A_513 : i32
      %add3A_515 = arith.constant 6 : i32
      %add3A_516 = arith.addi %mul3A_514, %add3A_515 : i32
      %mul3A_517 = arith.constant 16 : i32
      %mul3A_518 = arith.muli %add3A_516, %mul3A_517 : i32
      %swap3A_519 = arith.index_cast %mul3A_518 : i32 to index
      %swap3A_520 = tpu.vector_load %arg6[%swap3A_519] {strides = array<i32>} : memref<100000xf32, #tpu.memory_space<vmem>>, vector<16xf32>,
      %swap3A_521 = vector.shape_cast %swap3A_520 : vector<16xf32> to vector<16xf32>
      %swap3A_522 = vector.shape_cast %broadcast_in_dim3A_1 : vector<16xf32> to vector<16xf32>
      tpu.vector_store %arg6[%swap3A_519], %swap3A_522 {strides = array<i32>} : memref<100000xf32, #tpu.memory_space<vmem>>, vector<16xf32>,
      %mul3A_523 = arith.constant 10 : i32
      %mul3A_524 = arith.muli %scan3A_452, %mul3A_523 : i32
      %add3A_525 = arith.constant 7 : i32
      %add3A_526 = arith.addi %mul3A_524, %add3A_525 : i32
      %mul3A_527 = arith.constant 16 : i32
      %mul3A_528 = arith.muli %add3A_526, %mul3A_527 : i32
      %swap3A_529 = arith.index_cast %mul3A_528 : i32 to index
      %swap3A_530 = tpu.vector_load %arg6[%swap3A_529] {strides = array<i32>} : memref<100000xf32, #tpu.memory_space<vmem>>, vector<16xf32>,
      %swap3A_531 = vector.shape_cast %swap3A_530 : vector<16xf32> to vector<16xf32>
      %swap3A_532 = vector.shape_cast %broadcast_in_dim3A_1 : vector<16xf32> to vector<16xf32>
      tpu.vector_store %arg6[%swap3A_529], %swap3A_532 {strides = array<i32>} : memref<100000xf32, #tpu.memory_space<vmem>>, vector<16xf32>,
      %mul3A_533 = arith.constant 10 : i32
      %mul3A_534 = arith.muli %scan3A_452, %mul3A_533 : i32
      %add3A_535 = arith.constant 8 : i32
      %add3A_536 = arith.addi %mul3A_534, %add3A_535 : i32
      %mul3A_537 = arith.constant 16 : i32
      %mul3A_538 = arith.muli %add3A_536, %mul3A_537 : i32
      %swap3A_539 = arith.index_cast %mul3A_538 : i32 to index
      %swap3A_540 = tpu.vector_load %arg6[%swap3A_539] {strides = array<i32>} : memref<100000xf32, #tpu.memory_space<vmem>>, vector<16xf32>,
      %swap3A_541 = vector.shape_cast %swap3A_540 : vector<16xf32> to vector<16xf32>
      %swap3A_542 = vector.shape_cast %broadcast_in_dim3A_1 : vector<16xf32> to vector<16xf32>
      tpu.vector_store %arg6[%swap3A_539], %swap3A_542 {strides = array<i32>} : memref<100000xf32, #tpu.memory_space<vmem>>, vector<16xf32>,
      %mul3A_543 = arith.constant 10 : i32
      %mul3A_544 = arith.muli %scan3A_452, %mul3A_543 : i32
      %add3A_545 = arith.constant 9 : i32
      %add3A_546 = arith.addi %mul3A_544, %add3A_545 : i32
      %mul3A_547 = arith.constant 16 : i32
      %mul3A_548 = arith.muli %add3A_546, %mul3A_547 : i32
      %swap3A_549 = arith.index_cast %mul3A_548 : i32 to index
      %swap3A_550 = tpu.vector_load %arg6[%swap3A_549] {strides = array<i32>} : memref<100000xf32, #tpu.memory_space<vmem>>, vector<16xf32>,
      %swap3A_551 = vector.shape_cast %swap3A_550 : vector<16xf32> to vector<16xf32>
      %swap3A_552 = vector.shape_cast %broadcast_in_dim3A_1 : vector<16xf32> to vector<16xf32>
      tpu.vector_store %arg6[%swap3A_549], %swap3A_552 {strides = array<i32>} : memref<100000xf32, #tpu.memory_space<vmem>>, vector<16xf32>,
    }
    %scan3A_292 = arith.constant 625 : i32
    %mul3A_293 = arith.constant 4 : i32
    %mul3A_294 = arith.muli %add3A, %mul3A_293 : i32
    %add3A_295 = arith.constant 0 : i32
    %add3A_296 = arith.addi %mul3A_294, %add3A_295 : i32
    %mul3A_297 = arith.constant 100000 : i32
    %mul3A_298 = arith.muli %add3A_296, %mul3A_297 : i32
    %dma_start3A_299 = tpu.memref_slice %arg3[%mul3A_298] : memref<12800000xf32, #tpu.memory_space<hbm>> -> memref<100000xf32, #tpu.memory_space<hbm>>
    %dma_start3A_300 = tpu.memref_slice %arg3[%mul3A_298] : memref<12800000xf32, #tpu.memory_space<hbm>> -> memref<100000xf32, #tpu.memory_space<hbm>>
    tpu.enqueue_dma source(%arg6 : memref<100000xf32, #tpu.memory_space<vmem>>) target(%dma_start3A_300 : memref<100000xf32, #tpu.memory_space<hbm>>) target_semaphore(%arg8 : memref<!tpu.dma_semaphore, #tpu.memory_space<semaphore_mem>>)
    %mul3A_301 = arith.constant 4 : i32
    %mul3A_302 = arith.muli %add3A, %mul3A_301 : i32
    %add3A_303 = arith.constant 1 : i32
    %add3A_304 = arith.addi %mul3A_302, %add3A_303 : i32
    %mul3A_305 = arith.constant 100000 : i32
    %mul3A_306 = arith.muli %add3A_304, %mul3A_305 : i32
    %dma_start3A_307 = tpu.memref_slice %arg3[%mul3A_306] : memref<12800000xf32, #tpu.memory_space<hbm>> -> memref<100000xf32, #tpu.memory_space<hbm>>
    %dma_start3A_308 = tpu.memref_slice %arg3[%mul3A_306] : memref<12800000xf32, #tpu.memory_space<hbm>> -> memref<100000xf32, #tpu.memory_space<hbm>>
    tpu.enqueue_dma source(%arg6 : memref<100000xf32, #tpu.memory_space<vmem>>) target(%dma_start3A_308 : memref<100000xf32, #tpu.memory_space<hbm>>) target_semaphore(%arg8 : memref<!tpu.dma_semaphore, #tpu.memory_space<semaphore_mem>>)
    %mul3A_309 = arith.constant 4 : i32
    %mul3A_310 = arith.muli %add3A, %mul3A_309 : i32
    %add3A_311 = arith.constant 2 : i32
    %add3A_312 = arith.addi %mul3A_310, %add3A_311 : i32
    %mul3A_313 = arith.constant 100000 : i32
    %mul3A_314 = arith.muli %add3A_312, %mul3A_313 : i32
    %dma_start3A_315 = tpu.memref_slice %arg3[%mul3A_314] : memref<12800000xf32, #tpu.memory_space<hbm>> -> memref<100000xf32, #tpu.memory_space<hbm>>
    %dma_start3A_316 = tpu.memref_slice %arg3[%mul3A_314] : memref<12800000xf32, #tpu.memory_space<hbm>> -> memref<100000xf32, #tpu.memory_space<hbm>>
    tpu.enqueue_dma source(%arg6 : memref<100000xf32, #tpu.memory_space<vmem>>) target(%dma_start3A_316 : memref<100000xf32, #tpu.memory_space<hbm>>) target_semaphore(%arg8 : memref<!tpu.dma_semaphore, #tpu.memory_space<semaphore_mem>>)
    %mul3A_317 = arith.constant 4 : i32
    %mul3A_318 = arith.muli %add3A, %mul3A_317 : i32
    %add3A_319 = arith.constant 3 : i32
    %add3A_320 = arith.addi %mul3A_318, %add3A_319 : i32
    %mul3A_321 = arith.constant 100000 : i32
    %mul3A_322 = arith.muli %add3A_320, %mul3A_321 : i32
    %dma_start3A_323 = tpu.memref_slice %arg3[%mul3A_322] : memref<12800000xf32, #tpu.memory_space<hbm>> -> memref<100000xf32, #tpu.memory_space<hbm>>
    %dma_start3A_324 = tpu.memref_slice %arg3[%mul3A_322] : memref<12800000xf32, #tpu.memory_space<hbm>> -> memref<100000xf32, #tpu.memory_space<hbm>>
    tpu.enqueue_dma source(%arg6 : memref<100000xf32, #tpu.memory_space<vmem>>) target(%dma_start3A_324 : memref<100000xf32, #tpu.memory_space<hbm>>) target_semaphore(%arg8 : memref<!tpu.dma_semaphore, #tpu.memory_space<semaphore_mem>>)
    %dma_wait3A = arith.constant 0 : i32
    %dma_wait3A_325 = arith.constant 0 : i32
    %dma_wait3A_326 = arith.constant 0 : i32
    %dma_wait3A_327 = tpu.memref_slice %arg5[%dma_wait3A_325, %dma_wait3A_326] : memref<4x64xf32, #tpu.memory_space<vmem>> -> memref<1x64xf32, #tpu.memory_space<vmem>>
    %dma_wait3A_328 = tpu.memref_squeeze %dma_wait3A_327 : memref<1x64xf32, #tpu.memory_space<vmem>> -> memref<64xf32, #tpu.memory_space<vmem>>
    %dma_wait3A_329 = arith.constant 0 : i32
    %dma_wait3A_330 = tpu.memref_slice %arg4[%dma_wait3A, %dma_wait3A_329] : memref<4x64xi32, #tpu.memory_space<vmem>> -> memref<1x64xi32, #tpu.memory_space<vmem>>
    %dma_wait3A_331 = tpu.memref_squeeze %dma_wait3A_330 : memref<1x64xi32, #tpu.memory_space<vmem>> -> memref<64xi32, #tpu.memory_space<vmem>>
    %dma_wait3A_332 = arith.constant 0 : i32
    %dma_wait3A_333 = tpu.memref_slice %arg2[%dma_wait3A_332] : memref<12800000xf32, #tpu.memory_space<hbm>> -> memref<12800000xf32, #tpu.memory_space<hbm>>
    tpu.wait_indirect_dma semaphore(%arg7 : memref<!tpu.dma_semaphore, #tpu.memory_space<semaphore_mem>>) src(%dma_wait3A_333 : memref<12800000xf32, #tpu.memory_space<hbm>>) dst(%dma_wait3A_328 : memref<64xf32, #tpu.memory_space<vmem>>)
    %dma_wait3A_334 = arith.constant 1 : i32
    %dma_wait3A_335 = arith.constant 1 : i32
    %dma_wait3A_336 = arith.constant 0 : i32
    %dma_wait3A_337 = tpu.memref_slice %arg5[%dma_wait3A_335, %dma_wait3A_336] : memref<4x64xf32, #tpu.memory_space<vmem>> -> memref<1x64xf32, #tpu.memory_space<vmem>>
    %dma_wait3A_338 = tpu.memref_squeeze %dma_wait3A_337 : memref<1x64xf32, #tpu.memory_space<vmem>> -> memref<64xf32, #tpu.memory_space<vmem>>
    %dma_wait3A_339 = arith.constant 0 : i32
    %dma_wait3A_340 = tpu.memref_slice %arg4[%dma_wait3A_334, %dma_wait3A_339] : memref<4x64xi32, #tpu.memory_space<vmem>> -> memref<1x64xi32, #tpu.memory_space<vmem>>
    %dma_wait3A_341 = tpu.memref_squeeze %dma_wait3A_340 : memref<1x64xi32, #tpu.memory_space<vmem>> -> memref<64xi32, #tpu.memory_space<vmem>>
    %dma_wait3A_342 = arith.constant 0 : i32
    %dma_wait3A_343 = tpu.memref_slice %arg2[%dma_wait3A_342] : memref<12800000xf32, #tpu.memory_space<hbm>> -> memref<12800000xf32, #tpu.memory_space<hbm>>
    tpu.wait_indirect_dma semaphore(%arg7 : memref<!tpu.dma_semaphore, #tpu.memory_space<semaphore_mem>>) src(%dma_wait3A_343 : memref<12800000xf32, #tpu.memory_space<hbm>>) dst(%dma_wait3A_338 : memref<64xf32, #tpu.memory_space<vmem>>)
    %dma_wait3A_344 = arith.constant 2 : i32
    %dma_wait3A_345 = arith.constant 2 : i32
    %dma_wait3A_346 = arith.constant 0 : i32
    %dma_wait3A_347 = tpu.memref_slice %arg5[%dma_wait3A_345, %dma_wait3A_346] : memref<4x64xf32, #tpu.memory_space<vmem>> -> memref<1x64xf32, #tpu.memory_space<vmem>>
    %dma_wait3A_348 = tpu.memref_squeeze %dma_wait3A_347 : memref<1x64xf32, #tpu.memory_space<vmem>> -> memref<64xf32, #tpu.memory_space<vmem>>
    %dma_wait3A_349 = arith.constant 0 : i32
    %dma_wait3A_350 = tpu.memref_slice %arg4[%dma_wait3A_344, %dma_wait3A_349] : memref<4x64xi32, #tpu.memory_space<vmem>> -> memref<1x64xi32, #tpu.memory_space<vmem>>
    %dma_wait3A_351 = tpu.memref_squeeze %dma_wait3A_350 : memref<1x64xi32, #tpu.memory_space<vmem>> -> memref<64xi32, #tpu.memory_space<vmem>>
    %dma_wait3A_352 = arith.constant 0 : i32
    %dma_wait3A_353 = tpu.memref_slice %arg2[%dma_wait3A_352] : memref<12800000xf32, #tpu.memory_space<hbm>> -> memref<12800000xf32, #tpu.memory_space<hbm>>
    tpu.wait_indirect_dma semaphore(%arg7 : memref<!tpu.dma_semaphore, #tpu.memory_space<semaphore_mem>>) src(%dma_wait3A_353 : memref<12800000xf32, #tpu.memory_space<hbm>>) dst(%dma_wait3A_348 : memref<64xf32, #tpu.memory_space<vmem>>)
    %dma_wait3A_354 = arith.constant 3 : i32
    %dma_wait3A_355 = arith.constant 3 : i32
    %dma_wait3A_356 = arith.constant 0 : i32
    %dma_wait3A_357 = tpu.memref_slice %arg5[%dma_wait3A_355, %dma_wait3A_356] : memref<4x64xf32, #tpu.memory_space<vmem>> -> memref<1x64xf32, #tpu.memory_space<vmem>>
    %dma_wait3A_358 = tpu.memref_squeeze %dma_wait3A_357 : memref<1x64xf32, #tpu.memory_space<vmem>> -> memref<64xf32, #tpu.memory_space<vmem>>
    %dma_wait3A_359 = arith.constant 0 : i32
    %dma_wait3A_360 = tpu.memref_slice %arg4[%dma_wait3A_354, %dma_wait3A_359] : memref<4x64xi32, #tpu.memory_space<vmem>> -> memref<1x64xi32, #tpu.memory_space<vmem>>
    %dma_wait3A_361 = tpu.memref_squeeze %dma_wait3A_360 : memref<1x64xi32, #tpu.memory_space<vmem>> -> memref<64xi32, #tpu.memory_space<vmem>>
    %dma_wait3A_362 = arith.constant 0 : i32
    %dma_wait3A_363 = tpu.memref_slice %arg2[%dma_wait3A_362] : memref<12800000xf32, #tpu.memory_space<hbm>> -> memref<12800000xf32, #tpu.memory_space<hbm>>
    tpu.wait_indirect_dma semaphore(%arg7 : memref<!tpu.dma_semaphore, #tpu.memory_space<semaphore_mem>>) src(%dma_wait3A_363 : memref<12800000xf32, #tpu.memory_space<hbm>>) dst(%dma_wait3A_358 : memref<64xf32, #tpu.memory_space<vmem>>)
    %dma_wait3A_364 = tpu.memref_slice %arg3[%mul3A_298] : memref<12800000xf32, #tpu.memory_space<hbm>> -> memref<100000xf32, #tpu.memory_space<hbm>>
    %dma_wait3A_365 = tpu.memref_slice %arg3[%mul3A_298] : memref<12800000xf32, #tpu.memory_space<hbm>> -> memref<100000xf32, #tpu.memory_space<hbm>>
    tpu.wait_dma2 semaphore(%arg8 : memref<!tpu.dma_semaphore, #tpu.memory_space<semaphore_mem>>) src(%arg6 : memref<100000xf32, #tpu.memory_space<vmem>>) dst(%dma_wait3A_365 : memref<100000xf32, #tpu.memory_space<hbm>>)
    %dma_wait3A_366 = tpu.memref_slice %arg3[%mul3A_306] : memref<12800000xf32, #tpu.memory_space<hbm>> -> memref<100000xf32, #tpu.memory_space<hbm>>
    %dma_wait3A_367 = tpu.memref_slice %arg3[%mul3A_306] : memref<12800000xf32, #tpu.memory_space<hbm>> -> memref<100000xf32, #tpu.memory_space<hbm>>
    tpu.wait_dma2 semaphore(%arg8 : memref<!tpu.dma_semaphore, #tpu.memory_space<semaphore_mem>>) src(%arg6 : memref<100000xf32, #tpu.memory_space<vmem>>) dst(%dma_wait3A_367 : memref<100000xf32, #tpu.memory_space<hbm>>)
    %dma_wait3A_368 = tpu.memref_slice %arg3[%mul3A_314] : memref<12800000xf32, #tpu.memory_space<hbm>> -> memref<100000xf32, #tpu.memory_space<hbm>>
    %dma_wait3A_369 = tpu.memref_slice %arg3[%mul3A_314] : memref<12800000xf32, #tpu.memory_space<hbm>> -> memref<100000xf32, #tpu.memory_space<hbm>>
    tpu.wait_dma2 semaphore(%arg8 : memref<!tpu.dma_semaphore, #tpu.memory_space<semaphore_mem>>) src(%arg6 : memref<100000xf32, #tpu.memory_space<vmem>>) dst(%dma_wait3A_369 : memref<100000xf32, #tpu.memory_space<hbm>>)
    %dma_wait3A_370 = tpu.memref_slice %arg3[%mul3A_322] : memref<12800000xf32, #tpu.memory_space<hbm>> -> memref<100000xf32, #tpu.memory_space<hbm>>
    %dma_wait3A_371 = tpu.memref_slice %arg3[%mul3A_322] : memref<12800000xf32, #tpu.memory_space<hbm>> -> memref<100000xf32, #tpu.memory_space<hbm>>
    tpu.wait_dma2 semaphore(%arg8 : memref<!tpu.dma_semaphore, #tpu.memory_space<semaphore_mem>>) src(%arg6 : memref<100000xf32, #tpu.memory_space<vmem>>) dst(%dma_wait3A_371 : memref<100000xf32, #tpu.memory_space<hbm>>)
    %dma_start3A_372 = arith.constant 0 : i32
    %dma_start3A_373 = arith.constant 0 : i32
    %dma_start3A_374 = arith.constant 0 : i32
    %dma_start3A_375 = tpu.memref_slice %arg5[%dma_start3A_372, %dma_start3A_374] : memref<4x64xf32, #tpu.memory_space<vmem>> -> memref<1x64xf32, #tpu.memory_space<vmem>>
    %dma_start3A_376 = tpu.memref_squeeze %dma_start3A_375 : memref<1x64xf32, #tpu.memory_space<vmem>> -> memref<64xf32, #tpu.memory_space<vmem>>
    %dma_start3A_377 = arith.constant 0 : i32
    %dma_start3A_378 = tpu.memref_slice %arg4[%dma_start3A_373, %dma_start3A_377] : memref<4x64xi32, #tpu.memory_space<vmem>> -> memref<1x64xi32, #tpu.memory_space<vmem>>
    %dma_start3A_379 = tpu.memref_squeeze %dma_start3A_378 : memref<1x64xi32, #tpu.memory_space<vmem>> -> memref<64xi32, #tpu.memory_space<vmem>>
    %dma_start3A_380 = arith.constant 0 : i32
    %dma_start3A_381 = tpu.memref_slice %arg3[%dma_start3A_380] : memref<12800000xf32, #tpu.memory_space<hbm>> -> memref<12800000xf32, #tpu.memory_space<hbm>>
    tpu.enqueue_indirect_dma source(%dma_start3A_376 : memref<64xf32, #tpu.memory_space<vmem>>) target(%dma_start3A_381 : memref<12800000xf32, #tpu.memory_space<hbm>>) offsets(%dma_start3A_379 : memref<64xi32, #tpu.memory_space<vmem>>) semaphore(%arg9 : memref<!tpu.dma_semaphore, #tpu.memory_space<semaphore_mem>>)
    %dma_start3A_382 = arith.constant 1 : i32
    %dma_start3A_383 = arith.constant 1 : i32
    %dma_start3A_384 = arith.constant 0 : i32
    %dma_start3A_385 = tpu.memref_slice %arg5[%dma_start3A_382, %dma_start3A_384] : memref<4x64xf32, #tpu.memory_space<vmem>> -> memref<1x64xf32, #tpu.memory_space<vmem>>
    %dma_start3A_386 = tpu.memref_squeeze %dma_start3A_385 : memref<1x64xf32, #tpu.memory_space<vmem>> -> memref<64xf32, #tpu.memory_space<vmem>>
    %dma_start3A_387 = arith.constant 0 : i32
    %dma_start3A_388 = tpu.memref_slice %arg4[%dma_start3A_383, %dma_start3A_387] : memref<4x64xi32, #tpu.memory_space<vmem>> -> memref<1x64xi32, #tpu.memory_space<vmem>>
    %dma_start3A_389 = tpu.memref_squeeze %dma_start3A_388 : memref<1x64xi32, #tpu.memory_space<vmem>> -> memref<64xi32, #tpu.memory_space<vmem>>
    %dma_start3A_390 = arith.constant 0 : i32
    %dma_start3A_391 = tpu.memref_slice %arg3[%dma_start3A_390] : memref<12800000xf32, #tpu.memory_space<hbm>> -> memref<12800000xf32, #tpu.memory_space<hbm>>
    tpu.enqueue_indirect_dma source(%dma_start3A_386 : memref<64xf32, #tpu.memory_space<vmem>>) target(%dma_start3A_391 : memref<12800000xf32, #tpu.memory_space<hbm>>) offsets(%dma_start3A_389 : memref<64xi32, #tpu.memory_space<vmem>>) semaphore(%arg9 : memref<!tpu.dma_semaphore, #tpu.memory_space<semaphore_mem>>)
    %dma_start3A_392 = arith.constant 2 : i32
    %dma_start3A_393 = arith.constant 2 : i32
    %dma_start3A_394 = arith.constant 0 : i32
    %dma_start3A_395 = tpu.memref_slice %arg5[%dma_start3A_392, %dma_start3A_394] : memref<4x64xf32, #tpu.memory_space<vmem>> -> memref<1x64xf32, #tpu.memory_space<vmem>>
    %dma_start3A_396 = tpu.memref_squeeze %dma_start3A_395 : memref<1x64xf32, #tpu.memory_space<vmem>> -> memref<64xf32, #tpu.memory_space<vmem>>
    %dma_start3A_397 = arith.constant 0 : i32
    %dma_start3A_398 = tpu.memref_slice %arg4[%dma_start3A_393, %dma_start3A_397] : memref<4x64xi32, #tpu.memory_space<vmem>> -> memref<1x64xi32, #tpu.memory_space<vmem>>
    %dma_start3A_399 = tpu.memref_squeeze %dma_start3A_398 : memref<1x64xi32, #tpu.memory_space<vmem>> -> memref<64xi32, #tpu.memory_space<vmem>>
    %dma_start3A_400 = arith.constant 0 : i32
    %dma_start3A_401 = tpu.memref_slice %arg3[%dma_start3A_400] : memref<12800000xf32, #tpu.memory_space<hbm>> -> memref<12800000xf32, #tpu.memory_space<hbm>>
    tpu.enqueue_indirect_dma source(%dma_start3A_396 : memref<64xf32, #tpu.memory_space<vmem>>) target(%dma_start3A_401 : memref<12800000xf32, #tpu.memory_space<hbm>>) offsets(%dma_start3A_399 : memref<64xi32, #tpu.memory_space<vmem>>) semaphore(%arg9 : memref<!tpu.dma_semaphore, #tpu.memory_space<semaphore_mem>>)
    %dma_start3A_402 = arith.constant 3 : i32
    %dma_start3A_403 = arith.constant 3 : i32
    %dma_start3A_404 = arith.constant 0 : i32
    %dma_start3A_405 = tpu.memref_slice %arg5[%dma_start3A_402, %dma_start3A_404] : memref<4x64xf32, #tpu.memory_space<vmem>> -> memref<1x64xf32, #tpu.memory_space<vmem>>
    %dma_start3A_406 = tpu.memref_squeeze %dma_start3A_405 : memref<1x64xf32, #tpu.memory_space<vmem>> -> memref<64xf32, #tpu.memory_space<vmem>>
    %dma_start3A_407 = arith.constant 0 : i32
    %dma_start3A_408 = tpu.memref_slice %arg4[%dma_start3A_403, %dma_start3A_407] : memref<4x64xi32, #tpu.memory_space<vmem>> -> memref<1x64xi32, #tpu.memory_space<vmem>>
    %dma_start3A_409 = tpu.memref_squeeze %dma_start3A_408 : memref<1x64xi32, #tpu.memory_space<vmem>> -> memref<64xi32, #tpu.memory_space<vmem>>
    %dma_start3A_410 = arith.constant 0 : i32
    %dma_start3A_411 = tpu.memref_slice %arg3[%dma_start3A_410] : memref<12800000xf32, #tpu.memory_space<hbm>> -> memref<12800000xf32, #tpu.memory_space<hbm>>
    tpu.enqueue_indirect_dma source(%dma_start3A_406 : memref<64xf32, #tpu.memory_space<vmem>>) target(%dma_start3A_411 : memref<12800000xf32, #tpu.memory_space<hbm>>) offsets(%dma_start3A_409 : memref<64xi32, #tpu.memory_space<vmem>>) semaphore(%arg9 : memref<!tpu.dma_semaphore, #tpu.memory_space<semaphore_mem>>)
    %dma_wait3A_412 = arith.constant 0 : i32
    %dma_wait3A_413 = arith.constant 0 : i32
    %dma_wait3A_414 = arith.constant 0 : i32
    %dma_wait3A_415 = tpu.memref_slice %arg5[%dma_wait3A_412, %dma_wait3A_414] : memref<4x64xf32, #tpu.memory_space<vmem>> -> memref<1x64xf32, #tpu.memory_space<vmem>>
    %dma_wait3A_416 = tpu.memref_squeeze %dma_wait3A_415 : memref<1x64xf32, #tpu.memory_space<vmem>> -> memref<64xf32, #tpu.memory_space<vmem>>
    %dma_wait3A_417 = arith.constant 0 : i32
    %dma_wait3A_418 = tpu.memref_slice %arg4[%dma_wait3A_413, %dma_wait3A_417] : memref<4x64xi32, #tpu.memory_space<vmem>> -> memref<1x64xi32, #tpu.memory_space<vmem>>
    %dma_wait3A_419 = tpu.memref_squeeze %dma_wait3A_418 : memref<1x64xi32, #tpu.memory_space<vmem>> -> memref<64xi32, #tpu.memory_space<vmem>>
    %dma_wait3A_420 = arith.constant 0 : i32
    %dma_wait3A_421 = tpu.memref_slice %arg3[%dma_wait3A_420] : memref<12800000xf32, #tpu.memory_space<hbm>> -> memref<12800000xf32, #tpu.memory_space<hbm>>
    tpu.wait_indirect_dma semaphore(%arg9 : memref<!tpu.dma_semaphore, #tpu.memory_space<semaphore_mem>>) src(%dma_wait3A_416 : memref<64xf32, #tpu.memory_space<vmem>>) dst(%dma_wait3A_421 : memref<12800000xf32, #tpu.memory_space<hbm>>)
    %dma_wait3A_422 = arith.constant 1 : i32
    %dma_wait3A_423 = arith.constant 1 : i32
    %dma_wait3A_424 = arith.constant 0 : i32
    %dma_wait3A_425 = tpu.memref_slice %arg5[%dma_wait3A_422, %dma_wait3A_424] : memref<4x64xf32, #tpu.memory_space<vmem>> -> memref<1x64xf32, #tpu.memory_space<vmem>>
    %dma_wait3A_426 = tpu.memref_squeeze %dma_wait3A_425 : memref<1x64xf32, #tpu.memory_space<vmem>> -> memref<64xf32, #tpu.memory_space<vmem>>
    %dma_wait3A_427 = arith.constant 0 : i32
    %dma_wait3A_428 = tpu.memref_slice %arg4[%dma_wait3A_423, %dma_wait3A_427] : memref<4x64xi32, #tpu.memory_space<vmem>> -> memref<1x64xi32, #tpu.memory_space<vmem>>
    %dma_wait3A_429 = tpu.memref_squeeze %dma_wait3A_428 : memref<1x64xi32, #tpu.memory_space<vmem>> -> memref<64xi32, #tpu.memory_space<vmem>>
    %dma_wait3A_430 = arith.constant 0 : i32
    %dma_wait3A_431 = tpu.memref_slice %arg3[%dma_wait3A_430] : memref<12800000xf32, #tpu.memory_space<hbm>> -> memref<12800000xf32, #tpu.memory_space<hbm>>
    tpu.wait_indirect_dma semaphore(%arg9 : memref<!tpu.dma_semaphore, #tpu.memory_space<semaphore_mem>>) src(%dma_wait3A_426 : memref<64xf32, #tpu.memory_space<vmem>>) dst(%dma_wait3A_431 : memref<12800000xf32, #tpu.memory_space<hbm>>)
    %dma_wait3A_432 = arith.constant 2 : i32
    %dma_wait3A_433 = arith.constant 2 : i32
    %dma_wait3A_434 = arith.constant 0 : i32
    %dma_wait3A_435 = tpu.memref_slice %arg5[%dma_wait3A_432, %dma_wait3A_434] : memref<4x64xf32, #tpu.memory_space<vmem>> -> memref<1x64xf32, #tpu.memory_space<vmem>>
    %dma_wait3A_436 = tpu.memref_squeeze %dma_wait3A_435 : memref<1x64xf32, #tpu.memory_space<vmem>> -> memref<64xf32, #tpu.memory_space<vmem>>
    %dma_wait3A_437 = arith.constant 0 : i32
    %dma_wait3A_438 = tpu.memref_slice %arg4[%dma_wait3A_433, %dma_wait3A_437] : memref<4x64xi32, #tpu.memory_space<vmem>> -> memref<1x64xi32, #tpu.memory_space<vmem>>
    %dma_wait3A_439 = tpu.memref_squeeze %dma_wait3A_438 : memref<1x64xi32, #tpu.memory_space<vmem>> -> memref<64xi32, #tpu.memory_space<vmem>>
    %dma_wait3A_440 = arith.constant 0 : i32
    %dma_wait3A_441 = tpu.memref_slice %arg3[%dma_wait3A_440] : memref<12800000xf32, #tpu.memory_space<hbm>> -> memref<12800000xf32, #tpu.memory_space<hbm>>
    tpu.wait_indirect_dma semaphore(%arg9 : memref<!tpu.dma_semaphore, #tpu.memory_space<semaphore_mem>>) src(%dma_wait3A_436 : memref<64xf32, #tpu.memory_space<vmem>>) dst(%dma_wait3A_441 : memref<12800000xf32, #tpu.memory_space<hbm>>)
    %dma_wait3A_442 = arith.constant 3 : i32
    %dma_wait3A_443 = arith.constant 3 : i32
    %dma_wait3A_444 = arith.constant 0 : i32
    %dma_wait3A_445 = tpu.memref_slice %arg5[%dma_wait3A_442, %dma_wait3A_444] : memref<4x64xf32, #tpu.memory_space<vmem>> -> memref<1x64xf32, #tpu.memory_space<vmem>>
    %dma_wait3A_446 = tpu.memref_squeeze %dma_wait3A_445 : memref<1x64xf32, #tpu.memory_space<vmem>> -> memref<64xf32, #tpu.memory_space<vmem>>
    %dma_wait3A_447 = arith.constant 0 : i32
    %dma_wait3A_448 = tpu.memref_slice %arg4[%dma_wait3A_443, %dma_wait3A_447] : memref<4x64xi32, #tpu.memory_space<vmem>> -> memref<1x64xi32, #tpu.memory_space<vmem>>
    %dma_wait3A_449 = tpu.memref_squeeze %dma_wait3A_448 : memref<1x64xi32, #tpu.memory_space<vmem>> -> memref<64xi32, #tpu.memory_space<vmem>>
    %dma_wait3A_450 = arith.constant 0 : i32
    %dma_wait3A_451 = tpu.memref_slice %arg3[%dma_wait3A_450] : memref<12800000xf32, #tpu.memory_space<hbm>> -> memref<12800000xf32, #tpu.memory_space<hbm>>
    tpu.wait_indirect_dma semaphore(%arg9 : memref<!tpu.dma_semaphore, #tpu.memory_space<semaphore_mem>>) src(%dma_wait3A_446 : memref<64xf32, #tpu.memory_space<vmem>>) dst(%dma_wait3A_451 : memref<12800000xf32, #tpu.memory_space<hbm>>)
    return
  }
}

</mosaic_0001>

<sc_bundles>
// kernel: kernel.3.cloned.1.call-start
scs
__scs_entry_jumppad:
0x0: {  	(pc) =	sbr.rel $0x88, $3  }
0x1: {  	(tag) =	ssettag $0x0;
	lr =	simm.s32 $0x1  }
0x2: {  	[smem:$0x3FA0] =	sst lr;
	_ =	strace $0xD0000000  }
0x3: {  	_ = 	snop  }
0x4: {  	_ = 	snop  }
0x5: {  	_ = 	snop  }
0x6: {  	_ = 	snop  }
0x7: {  	_ = 	snop  }
__scs_overlays_trampoline_lowered:
0x8: {  	[smem:$0x3FAF] =	sst s0  }
0x9: {  	[smem:$0x3FB0] =	sst s1  }
0xa: {  	[smem:$0x3FB1] =	sst s2  }
0xb: {  	[smem:$0x3FB2] =	sst s3  }
0xc: {  	[smem:$0x3FB3] =	sst s4  }
0xd: {  	[smem:$0x3FB4] =	sst s5  }
0xe: {  	[smem:$0x3FB5] =	sst s6  }
0xf: {  	[smem:$0x3FB6] =	sst s7  }
0x10: {  	[smem:$0x3FB7] =	sst s8  }
0x11: {  	[smem:$0x3FB8] =	sst s9;
	s0 =	simm.s32 @!p0 $0x0  }
0x12: {  	s1 =	sld [smem:$0x3F9E];
	s0 =	simm.s32 @p0 $0x1  }
0x13: {  	[smem:$0x3FB9] =	sst s0;
	s0 =	simm.s32 @!p1 $0x0  }
0x14: {  	s2 =	sld [smem:$0x3F9D];
	s0 =	simm.s32 @p1 $0x1  }
0x15: {  	[smem:$0x3FBA] =	sst s0;
	s0 =	simm.s32 @!p2 $0x0  }
0x16: {  	s3 =	sld [smem:$0x3FDB];
	s0 =	simm.s32 @p2 $0x1  }
0x17: {  	s4 =	simm.s32 $0x1BF5;
	[smem:$0x3FBC] =	sst s0  }
0x18: {  	s0 =	sld [smem:$0x3F9F];
	_ =	swait.ge [sflag:s4], $0x0  }
0x19: {  	s7 =	sld [smem:$0x3FA0]  }
0x1a: {  	s8 =	sadd.s32 $0xFFFFE003, lr  }
0x1b: {  	s9 =	sadd.s32 $0xFFFFFEF7, lr;
	s5 =	simm.s32 $0xFFFFFFFF;
	p2 =	slt.u32 s8, $0xFFFFF086  }
0x1c: {  	p1 =	slt.u32 s9, $0xF7A;
	s5 =	simm.s32 @!p2 $0x0  }
0x1d: {  	s5 =	simm.s32 @p1 $0x1;
	p0 =	seq.s32 s7, s2  }
0x1e: {  	s7 =	smul.u32 @!p0 $0xF7A, s2;
	p2 =	seq.s32 @!p0 s5, $0x0  }
0x1f: {  	s9 =	smul.u32 $0xF7A, s1;
	s8 =	simm.s32 @!p0 $0x1BF5;
	p2 =	por !p2, p0  }
0x20: {  	[sflag:s8] =	ssyncset.s32 @!p0 $0xFFFFF086;
	s6 =	sadd.s32 @!p0 s3, s7;
	s7 =	simm.s32 @!p0 $0x108  }
0x21: {  	s3 =	sadd.s32 s3, s9;
	s6 =	sadd.s32 @!p0 $0x88, s6;
	s7 =	simm.s32 @p2 $0x1082  }
0x22: {  	[simem:s7], [sflag:s8] =	dma.local @!p0 [hbm:s6], $0xF7A  }
0x23: {  	s9 =	sor.u32 $0xD0000000, s2;
	s6 =	simm.s32 $0x108;
	_ =	swait.ge @!p0 [sflag:s8], $0x0  }
0x24: {  	s3 =	sadd.s32 $0x88, s3;
	s6 =	simm.s32 @!p1 $0x1082;
	[sflag:s4] =	ssyncset.s32 $0xFFFFF086  }
0x25: {  	[simem:s6], [sflag:s4] =	dma.local [hbm:s3], $0xF7A  }
0x26: {  	[smem:$0x3FA0] =	sst s1;
	(tag) =	ssettag s2;
	_ =	strace s9  }
0x27: {  	s1 =	sld [smem:$0x3FB0]  }
0x28: {  	s2 =	sld [smem:$0x3FB1]  }
0x29: {  	s4 =	sld [smem:$0x3FB3]  }
0x2a: {  	p0 =	seq.s32 s5, $0x0;
	s5 =	sld [smem:$0x3FB4]  }
0x2b: {  	s6 =	sld [smem:$0x3FB5]  }
0x2c: {  	s7 =	sld [smem:$0x3FB6]  }
0x2d: {  	s3 =	simm.s32 $0x108;
	s8 =	sld [smem:$0x3FB7]  }
0x2e: {  	s3 =	simm.s32 @!p0 $0x1082;
	s9 =	sld [smem:$0x3FB8]  }
0x2f: {  	lr =	sadd.s32 s0, s3;
	s0 =	sld [smem:$0x3FAF]  }
0x30: {  	s3 =	sld [smem:$0x3FB2]  }
0x31: {  	[smem:$0x3FBB] =	sst s10  }
0x32: {  	s10 =	sld [smem:$0x3FB9];
	_ =	sdelay $0x3  }
0x33: {  	p0 =	seq.s32 s10, $0x1;
	s10 =	sld [smem:$0x3FBB];
	_ =	sdelay $0x3  }
0x34: {  	[smem:$0x3FBB] =	sst s10  }
0x35: {  	s10 =	sld [smem:$0x3FBA];
	_ =	sdelay $0x3  }
0x36: {  	p1 =	seq.s32 s10, $0x1;
	s10 =	sld [smem:$0x3FBB];
	_ =	sdelay $0x3  }
0x37: {  	[smem:$0x3FBB] =	sst s10  }
0x38: {  	s10 =	sld [smem:$0x3FBC]  }
0x39: {  	_ = 	snop;
	(pc) =	sbr.ind lr, $3  }
0x3a: {  	_ = 	snop  }
0x3b: {  	_ = 	snop  }
0x3c: {  	p2 =	seq.s32 s10, $0x1;
	s10 =	sld [smem:$0x3FBB]  }
0x3d: {  	_ =	shalt  }
0x3e: {  	_ =	shalt  }
0x3f: {  	_ =	shalt  }
0x40: {  	_ =	shalt  }
0x41: {  	_ =	shalt  }
0x42: {  	_ =	shalt  }
0x43: {  	_ =	shalt  }
0x44: {  	_ =	shalt  }
0x45: {  	_ =	shalt  }
0x46: {  	_ =	shalt  }
0x47: {  	_ =	shalt  }
0x48: {  	_ =	shalt  }
0x49: {  	_ =	shalt  }
0x4a: {  	_ =	shalt  }
0x4b: {  	_ =	shalt  }
0x4c: {  	_ =	shalt  }
0x4d: {  	_ =	shalt  }
0x4e: {  	_ =	shalt  }
0x4f: {  	_ =	shalt  }
0x50: {  	_ =	shalt  }
0x51: {  	_ =	shalt  }
0x52: {  	_ =	shalt  }
0x53: {  	_ =	shalt  }
0x54: {  	_ =	shalt  }
0x55: {  	_ =	shalt  }
0x56: {  	_ =	shalt  }
0x57: {  	_ =	shalt  }
0x58: {  	_ =	shalt  }
0x59: {  	_ =	shalt  }
0x5a: {  	_ =	shalt  }
0x5b: {  	_ =	shalt  }
0x5c: {  	_ =	shalt  }
0x5d: {  	_ =	shalt  }
0x5e: {  	_ =	shalt  }
0x5f: {  	_ =	shalt  }
0x60: {  	_ =	shalt  }
0x61: {  	_ =	shalt  }
0x62: {  	_ =	shalt  }
0x63: {  	_ =	shalt  }
0x64: {  	_ =	shalt  }
0x65: {  	_ =	shalt  }
0x66: {  	_ =	shalt  }
0x67: {  	_ =	shalt  }
0x68: {  	_ =	shalt  }
0x69: {  	_ =	shalt  }
0x6a: {  	_ =	shalt  }
0x6b: {  	_ =	shalt  }
0x6c: {  	_ =	shalt  }
0x6d: {  	_ =	shalt  }
0x6e: {  	_ =	shalt  }
0x6f: {  	_ =	shalt  }
0x70: {  	_ =	shalt  }
0x71: {  	_ =	shalt  }
0x72: {  	_ =	shalt  }
0x73: {  	_ =	shalt  }
0x74: {  	_ =	shalt  }
0x75: {  	_ =	shalt  }
0x76: {  	_ =	shalt  }
0x77: {  	_ =	shalt  }
0x78: {  	_ =	shalt  }
0x79: {  	_ =	shalt  }
0x7a: {  	_ =	shalt  }
0x7b: {  	_ =	shalt  }
0x7c: {  	_ =	shalt  }
0x7d: {  	_ =	shalt  }
0x7e: {  	_ =	shalt  }
0x7f: {  	_ =	shalt  }
0x80: {  	_ =	shalt  }
0x81: {  	_ =	shalt  }
0x82: {  	_ =	shalt  }
0x83: {  	_ =	shalt  }
0x84: {  	_ =	shalt  }
0x85: {  	_ =	shalt  }
0x86: {  	_ =	shalt  }
0x87: {  	_ =	shalt  }
.Lfunc_end0:
.L_simem_size_0:
called_computation.1_lowered:
.L_overlay_start_0:
0x88: {  	s2 =	sld [smem:$0x3FD9]  }
0x89: {  	s3 =	sld [smem:$0x3FFE];
	_ =	sdelay $0x1  }
0x8a: {  	s1 =	srdreg.scid  }
0x8b: {  	s0 =	sand.u32 $0x1, s1  }
0x8c: {  	s17 =	sshll.u32 s0, $0xA;
	s2 =	sadd.s32 s3, s2  }
0x8d: {  	s2 =	sadd.s32 s2, s17  }
0x8e: {  	[smem:$0x3FC7] =	sst s2  }
0x8f: {  	_ = 	snop  }
0x90: {  	s2 =	sld [smem:$0x3FD0];
	(tm) =	ssettm $0x1  }
0x91: {  	s18 =	sld [smem:$0x3FFB];
	_ =	sdelay $0x3  }
0x92: {  	_ =	strace s18  }
0x93: {  	s3 =	sld [smem:$0x3FFC];
	_ =	sdelay $0x3  }
0x94: {  	_ =	strace s3  }
0x95: {  	s3 =	sld [smem:$0x3FFD];
	_ =	sdelay $0x3  }
0x96: {  	_ =	strace s3  }
0x97: {  	_ =	strace $0x8FFFFFFF  }
0x98: {  	s19 =	sld [smem:$0x3FDB];
	_ =	sdelay $0x1  }
0x99: {  	s4 =	simm.s32 $_scs_section_size  }
0x9a: {  	s5 =	simm.s32 $_size__tile_overlayer_lowered;
	s6 =	simm.s32 $_tile_overlayer_lowered  }
0x9b: {  	s22 =	simm.s32 $0x1BFF;
	s21 =	sshll.u32 s6, $0x1;
	s3 =	sadd.s32 s4, s19  }
0x9c: {  	s7 =	simm.s32 $0x0;
	s20 =	sshll.u32 s5, $0x1;
	s5 =	sadd.s32 s21, s3  }
0x9d: {  	[timem:s7], [sflag:s22] =	dma.local [hbm:s5], s20  }
0x9e: {  	_ =	swait.ge [sflag:s22], s20  }
0x9f: {  	s4 =	ssub.s32 $0x0, s20;
	[sflag:s22] =	ssyncset.done $0x0  }
0xa0: {  	[sflag:s22] =	ssyncadd.s32 s4;
	_ =	sdelay $0x1  }
0xa1: {  	s23 =	simm.s32 $0x1B8B  }
0xa2: {  	_ =	swait.ge [sflag:s23], $0x1  }
0xa3: {  	[sflag:s23] =	ssyncset.done $0x0  }
0xa4: {  	s25 =	simm.s32 $0x1B8E;
	s24 =	sld [smem:$0x3FFE];
	[sflag:s23] =	ssyncadd.s32 $0xFFFFFFFF  }
0xa5: {  	s26 =	simm.s32 $execute0_lowered;
	[smem:$0x3FD2] =	sst s25  }
0xa6: {  	s5 =	sshll.u32 s26, $0x1;
	_ =	strace $0x80000046;
	[dreg:$0x1] =	wrdreg $0xFFFFFFFF  }
0xa7: {  	s28 =	simm.s32 $_size_execute0_lowered;
	s3 =	sadd.s32 s3, s5;
	[dreg:$0x0] =	wrdreg $0x0  }
0xa8: {  	s5 =	sshll.u32 s28, $0x1;
	[dreg:$0x2] =	wrdreg s3  }
0xa9: {  	[dreg:$0x3] =	wrdreg s5  }
0xaa: {  	[dreg:$0x4] =	wrdreg $0xC0  }
0xab: {  	_ =	task [dreg:s7], $0x5FFFF  }
0xac: {  	[dreg:$0x1] =	wrdreg $0xFFFFFFFF  }
0xad: {  	[dreg:$0x0] =	wrdreg $0x60  }
0xae: {  	[dreg:$0x2] =	wrdreg s2  }
0xaf: {  	[dreg:$0x3] =	wrdreg s24  }
0xb0: {  	[dreg:$0x4] =	wrdreg $0x9  }
0xb1: {  	_ =	task.clear_ibuf [dreg:s7], $0x5FFFF;
	_ =	strace $0x90000046  }
0xb2: {  	s29 =	simm.s32 $0x9;
	_ =	strace $0x80000048  }
0xb3: {  	_ =	swait.ge [sflag:s29], $0x1  }
0xb4: {  	[sflag:s29] =	ssyncadd.s32 $0xFFFFFFFF  }
0xb5: {  	_ =	strace $0x90000048  }
0xb6: {  	_ =	sfence  }
0xb7: {  	s30 =	sld [smem:$0x0];
	_ =	sdelay $0x2  }
0xb8: {  	s31 =	sshll.u32 s1, $0xD;
	s1 =	sshrl.u32 s1, $0x2  }
0xb9: {  	s3 =	sand.u32 $0x4000, s31;
	s1 =	sadd.s32 s1, s30  }
0xba: {  	s0 =	sor.u32 s3, s0;
	s1 =	sshll.u32 s1, $0x11  }
0xbb: {  	s0 =	sor.u32 s1, s0  }
0xbc: {  	s0 =	sadd.s32 $0x8F2B, s0  }
0xbd: {  	[sflag:s0] =	ssyncadd.remote.s32 $0x1  }
0xbe: {  	_ =	sfence.sel $0xFFFF  }
0xbf: {  	[dreg:$0x0] =	wrdreg $0xFFFFFFFF;
	(pc) =	sbr.abs _section_cstart, $3  }
0xc0: {  	[dreg:$0x1] =	wrdreg $0xFFFFFFFF  }
0xc1: {  	_ =	task.clear_ibuf [dreg:s7], $0x2FFFF;
	_ =	strace $0x9FFFFFFF  }
0xc2: {  	(tm) =	ssettm $0x7FFFFFFF  }
0xc3: {  	_ =	shalt  }
tec
execute0_lowered:
.L_overlay_start_1:
0x0: {  	(tag) =	ssettag $0x1  }
0x1: {  	s2 =	rddreg [dreg:$0x0];
	s1 =	srdreg.scid  }
0x2: {  	s0 =	stileid.u32;
	s4 =	rddreg [dreg:$0x1];
	s3 =	simm.s32 $0x0  }
0x3: {  	s12 =	simm.s32 $0x80;
	s13 =	simm.s32 $0x280;
	s14 =	simm.s32 $0x100  }
0x4: {  	v0 =	vlaneseq.u32;
	s15 =	simm.s32 $0x300;
	s5 =	sand.u32 $0x1, s1;
	s6 =	sshll.u32 s0, $0x1  }
0x5: {  	s16 =	simm.s32 $0x180;
	s18 =	simm.s32 $0x400;
	v12 =	vmul.u32 $0x3E8, v0;
	s6 =	sor.u32 s5, s6  }
0x6: {  	s19 =	simm.s32 $0x1;
	s21 =	simm.s32 $0x3;
	s8 =	smul.u32 $0x61A80, s6  }
0x7: {  	s22 =	simm.s32 $0x0;
	s1 =	rddreg [dreg:$0x2];
	s5 =	ssub.s32 $0x2, s5;
	v13 =	vadd.s32 $0x3E80, v12  }
0x8: {  	[smem:$0x7FF] =	sst s3;
	s4 =	sadd.s32 $0x800, s4;
	s29 =	sshrl.u32 s5, $0x1;
	v14 =	vadd.s32 $0x7D00, v12;
	v15 =	vadd.s32 $0xBB80, v12;
	v0 =	vadd.s32 s8, v12  }
0x9: {  	_ =	strace $0x80000047;
	s9 =	ssub.s32 s5, s29;
	s11 =	sadd.s32 $0x186A0, s8;
	v1 =	vadd.s32 s8, v13;
	v2 =	vadd.s32 s8, v14;
	v3 =	vadd.s32 s8, v15  }
0xa: {  	s17 =	sadd.s32 $0x30D40, s8;
	s20 =	sadd.s32 $0x493E0, s8;
	s30 =	sshrl.u32 s8, $0x3;
	v4 =	vadd.s32 s11, v12;
	v5 =	vadd.s32 s11, v13;
	v6 =	vadd.s32 s11, v14  }
0xb: {  	s9 =	smax.u32 s9, $0x1;
	s5 =	sadd.s32 s4, s30;
	s31 =	sshrl.u32 s11, $0x3;
	v7 =	vadd.s32 s11, v15;
	v8 =	vadd.s32 s17, v12;
	v9 =	vadd.s32 s17, v13  }
0xc: {  	s7 =	sshrl.u32 s17, $0x3;
	s10 =	sshrl.u32 s20, $0x3;
	s11 =	simm.s32 $0x200;
	v10 =	vadd.s32 s17, v14;
	v11 =	vadd.s32 s17, v15;
	v12 =	vadd.s32 s20, v12  }
0xd: {  	v13 =	vadd.s32 s20, v13;
	s17 =	simm.s32 $0x380;
	v14 =	vadd.s32 s20, v14;
	v15 =	vadd.s32 s20, v15;
	s20 =	simm.s32 $0x2;
	s6 =	sadd.s32 s4, s31  }
0xe: {  	v16 =	vimm.f32 $-Inf;
	s7 =	sadd.s32 s4, s7;
	s8 =	sadd.s32 s4, s10;
	s10 =	simm.s32 $0x40  }
.LBB2_1:
0xf: {  	[tilespmem:$0x0] =	vst v0  }
0x10: {  	[tilespmem:$0x10] =	vst v1  }
0x11: {  	[tilespmem:$0x20] =	vst v2  }
0x12: {  	[tilespmem:$0x30] =	vst v3  }
0x13: {  	[tilespmem:$0x80] =	vst v4  }
0x14: {  	[tilespmem:$0x90] =	vst v5  }
0x15: {  	[tilespmem:$0xA0] =	vst v6  }
0x16: {  	[tilespmem:$0xB0] =	vst v7  }
0x17: {  	[tilespmem:$0x100] =	vst v8  }
0x18: {  	[tilespmem:$0x110] =	vst v9  }
0x19: {  	[tilespmem:$0x120] =	vst v10  }
0x1a: {  	[tilespmem:$0x130] =	vst v11  }
0x1b: {  	[tilespmem:$0x180] =	vst v12  }
0x1c: {  	[tilespmem:$0x190] =	vst v13  }
0x1d: {  	[tilespmem:$0x1A0] =	vst v14  }
0x1e: {  	[tilespmem:$0x1B0] =	vst v15  }
0x1f: {  	[tilespmem:s11], [sflag:$0x1] =	stream.indirect.gather [hbm4b:s2+s10], $0x1, s3, s10, $0xb8;
	[tilespmem:$0x18B00] =	vst v63  }
0x20: {  	_ = 	snop  }
0x21: {  	[tilespmem:s13], [sflag:$0x1] =	stream.indirect.gather [hbm4b:s2+s10], $0x1, s12, s10, $0xb8;
	[tilespmem:$0x18B00] =	vst v63  }
0x22: {  	_ = 	snop  }
0x23: {  	[tilespmem:s15], [sflag:$0x1] =	stream.indirect.gather [hbm4b:s2+s10], $0x1, s14, s10, $0xb8;
	[tilespmem:$0x18B00] =	vst v63  }
0x24: {  	s23 =	simm.s32 $0x450  }
0x25: {  	[tilespmem:s17], [sflag:$0x1] =	stream.indirect.gather [hbm4b:s2+s10], $0x1, s16, s10, $0xb8;
	[tilespmem:$0x18B00] =	vst v63  }
0x26: {  	[tilespmem:s23+$0xFFFFFFC0] =	vst v16  }
0x27: {  	[tilespmem:s23+$0xFFFFFFD0] =	vst v16  }
0x28: {  	[tilespmem:s23+$0xFFFFFFE0] =	vst v16  }
0x29: {  	[tilespmem:s23+$0xFFFFFFF0] =	vst v16  }
0x2a: {  	[tilespmem:s23+$0x0] =	vst v16  }
0x2b: {  	[tilespmem:s23+$0x10] =	vst v16  }
0x2c: {  	[tilespmem:s23+$0x20] =	vst v16  }
0x2d: {  	s25 =	sand.u32 $0x3FFE0, s3;
	s24 =	simm.s32 $0xA0;
	[tilespmem:s23+$0xFFFFFFB0] =	vst v16  }
.LBB2_2:
0x2e: {  	p0 =	sne.s32 s24, $0x18600;
	[tilespmem:s25+$0x480] =	vst v16  }
0x2f: {  	[tilespmem:s23+$0x40] =	vst v16;
	s23 =	sadd.s32 $0xA0, s23  }
0x30: {  	[tilespmem:s23+$0xFFFFFFC0] =	vst v16  }
0x31: {  	[tilespmem:s23+$0xFFFFFFD0] =	vst v16  }
0x32: {  	[tilespmem:s23+$0xFFFFFFE0] =	vst v16  }
.Ltmp0:
0x33: {  	[tilespmem:s23+$0xFFFFFFF0] =	vst v16;
	(pc) =	sbr.rel @p0 .LBB2_2-.Ltmp0, $4  }
0x34: {  	[tilespmem:s23+$0x0] =	vst v16  }
0x35: {  	[tilespmem:s23+$0x10] =	vst v16  }
0x36: {  	[tilespmem:s23+$0x20] =	vst v16  }
0x37: {  	s25 =	sand.u32 $0x3FFE0, s24;
	s24 =	sadd.s32 $0xA0, s24;
	[tilespmem:s23+$0xFFFFFFB0] =	vst v16  }
0x38: {  	[tilespmem:s25+$0x480] =	vst v16  }
0x39: {  	[tilespmem:s23+$0x40] =	vst v16  }
0x3a: {  	[hbm4b:s5+s3] =	stream.linear.scatter [tilespmem:s18], [sflag:$0x2], $0x186A0, $0x38;
	[tilespmem:$0x18B00] =	vst v63  }
0x3b: {  	_ = 	snop  }
0x3c: {  	[hbm4b:s6+s3] =	stream.linear.scatter [tilespmem:s18], [sflag:$0x2], $0x186A0, $0x38;
	[tilespmem:$0x18B00] =	vst v63  }
0x3d: {  	_ = 	snop  }
0x3e: {  	[hbm4b:s7+s3] =	stream.linear.scatter [tilespmem:s18], [sflag:$0x2], $0x186A0, $0x38;
	[tilespmem:$0x18B00] =	vst v63  }
0x3f: {  	_ = 	snop  }
0x40: {  	[hbm4b:s8+s3] =	stream.linear.scatter [tilespmem:s18], [sflag:$0x2], $0x186A0, $0x38;
	[tilespmem:$0x18B00] =	vst v63  }
0x41: {  	_ =	swait.ge [sflag:s19], $0x40  }
0x42: {  	[sflag:s19] =	ssyncset.done $0x0  }
0x43: {  	[sflag:s19] =	ssyncadd.s32 $0xFFFFFFC0  }
0x44: {  	_ =	swait.ge [sflag:s19], $0x40  }
0x45: {  	[sflag:s19] =	ssyncset.done $0x0  }
0x46: {  	[sflag:s19] =	ssyncadd.s32 $0xFFFFFFC0  }
0x47: {  	_ =	swait.ge [sflag:s19], $0x40  }
0x48: {  	[sflag:s19] =	ssyncset.done $0x0  }
0x49: {  	[sflag:s19] =	ssyncadd.s32 $0xFFFFFFC0  }
0x4a: {  	_ =	swait.ge [sflag:s19], $0x40  }
0x4b: {  	[sflag:s19] =	ssyncset.done $0x0  }
0x4c: {  	[sflag:s19] =	ssyncadd.s32 $0xFFFFFFC0  }
0x4d: {  	_ =	swait.ge [sflag:s20], $0x186A0  }
0x4e: {  	[sflag:s20] =	ssyncset.done $0x0  }
0x4f: {  	[sflag:s20] =	ssyncadd.s32 $0xFFFE7960  }
0x50: {  	_ =	swait.ge [sflag:s20], $0x186A0  }
0x51: {  	[sflag:s20] =	ssyncset.done $0x0  }
0x52: {  	[sflag:s20] =	ssyncadd.s32 $0xFFFE7960  }
0x53: {  	_ =	swait.ge [sflag:s20], $0x186A0  }
0x54: {  	[sflag:s20] =	ssyncset.done $0x0  }
0x55: {  	[sflag:s20] =	ssyncadd.s32 $0xFFFE7960  }
0x56: {  	_ =	swait.ge [sflag:s20], $0x186A0  }
0x57: {  	[sflag:s20] =	ssyncset.done $0x0  }
0x58: {  	[sflag:s20] =	ssyncadd.s32 $0xFFFE7960  }
0x59: {  	[hbm4b:s4+s10] =	stream.indirect.scatter [tilespmem:s11], [sflag:$0x3], $0x1, s3, s10, $0xb8;
	[tilespmem:$0x18B00] =	vst v63  }
0x5a: {  	_ = 	snop  }
0x5b: {  	[hbm4b:s4+s10] =	stream.indirect.scatter [tilespmem:s13], [sflag:$0x3], $0x1, s12, s10, $0xb8;
	[tilespmem:$0x18B00] =	vst v63  }
0x5c: {  	_ = 	snop  }
0x5d: {  	[hbm4b:s4+s10] =	stream.indirect.scatter [tilespmem:s15], [sflag:$0x3], $0x1, s14, s10, $0xb8;
	[tilespmem:$0x18B00] =	vst v63  }
0x5e: {  	_ = 	snop  }
0x5f: {  	[hbm4b:s4+s10] =	stream.indirect.scatter [tilespmem:s17], [sflag:$0x3], $0x1, s16, s10, $0xb8;
	[tilespmem:$0x18B00] =	vst v63  }
0x60: {  	_ =	swait.ge [sflag:s21], $0x40  }
0x61: {  	[sflag:s21] =	ssyncset.done $0x0  }
0x62: {  	[sflag:s21] =	ssyncadd.s32 $0xFFFFFFC0  }
0x63: {  	_ =	swait.ge [sflag:s21], $0x40  }
0x64: {  	[sflag:s21] =	ssyncset.done $0x0  }
0x65: {  	s22 =	sadd.s32 $0x1, s22;
	[sflag:s21] =	ssyncadd.s32 $0xFFFFFFC0  }
0x66: {  	p0 =	sne.s32 s22, s9;
	_ =	swait.ge [sflag:s21], $0x40  }
.Ltmp1:
0x67: {  	[sflag:s21] =	ssyncset.done $0x0;
	(pc) =	sbr.rel @p0 .LBB2_1-.Ltmp1, $4  }
0x68: {  	[sflag:s21] =	ssyncadd.s32 $0xFFFFFFC0  }
0x69: {  	_ =	swait.ge [sflag:s21], $0x40  }
0x6a: {  	[sflag:s21] =	ssyncset.done $0x0  }
0x6b: {  	[sflag:s21] =	ssyncadd.s32 $0xFFFFFFC0  }
0x6c: {  	_ =	sfence.sel $0x180000  }
0x6d: {  	[bflag:$0x0] =	sbarrier.arrive $0xFFFF  }
0x6e: {  	p0 =	sne.s32 s0, $0x0;
	_ =	strace $0x90000047  }
0x6f: {  	s0 =	sadd.s32 @!p0 $0x100000, s1;
	[bflag:$0x2] =	sbarrier.arrive $0xFFFF  }
0x70: {  	[sflag:s0] =	ssyncadd.tile.s32 @!p0 $0x1;
	_ =	shalt  }
.Lfunc_end2:
_tile_overlayer_lowered:
.L_overlay_start_2:
0x71: {  	(tag) =	ssettag $0x2  }
0x72: {  	s0 =	rddreg [dreg:$0x0];
	s2 =	stileid.u32  }
0x73: {  	s1 =	rddreg [dreg:$0x1];
	p0 =	sne.s32 s2, $0x0  }
0x74: {  	s3 =	rddreg [dreg:$0x2];
	[bflag:$0x3] =	sbarrier.arrive $0xFFFF;
	s2 =	simm.s32 @!p0 $0x1C04  }
0x75: {  	[timem:s3], [sflag:s2] =	dma.local @!p0 [hbm:s0], s1  }
0x76: {  	s0 =	simm.s32 @!p0 $0x4  }
0x77: {  	_ =	swait.ge @!p0 [sflag:s0], s1  }
0x78: {  	s1 =	ssub.s32 @!p0 $0x0, s1;
	[sflag:s0] =	ssyncset.done @!p0 $0x0  }
0x79: {  	[sflag:s0] =	ssyncadd.s32 @!p0 s1  }
0x7a: {  	[bflag:$0x3] =	sbarrier.arrive $0xFFFF  }
0x7b: {  	_ =	shalt  }

// kernel: sparse-core-data-format-call.cloned.1.call-start
scs
called_computation_lowered:
.L_overlay_start_0:
0x0: {  	s2 =	sld [smem:$0x3FD9]  }
0x1: {  	s3 =	sld [smem:$0x3FFE];
	_ =	sdelay $0x1  }
0x2: {  	s1 =	srdreg.scid  }
0x3: {  	s0 =	sand.u32 $0x1, s1  }
0x4: {  	s18 =	sshll.u32 s0, $0xA;
	s2 =	sadd.s32 s3, s2  }
0x5: {  	s2 =	sadd.s32 s2, s18  }
0x6: {  	[smem:$0x3FC7] =	sst s2  }
0x7: {  	_ = 	snop  }
0x8: {  	s2 =	sld [smem:$0x3FD0];
	(tm) =	ssettm $0x1  }
0x9: {  	s19 =	sld [smem:$0x3FFB];
	_ =	sdelay $0x3  }
0xa: {  	_ =	strace s19  }
0xb: {  	s3 =	sld [smem:$0x3FFC];
	_ =	sdelay $0x3  }
0xc: {  	_ =	strace s3  }
0xd: {  	s3 =	sld [smem:$0x3FFD];
	_ =	sdelay $0x3  }
0xe: {  	_ =	strace s3  }
0xf: {  	_ =	strace $0x8FFFFFFF  }
0x10: {  	s20 =	sld [smem:$0x3FDB];
	_ =	sdelay $0x1  }
0x11: {  	s4 =	simm.s32 $_scs_section_size  }
0x12: {  	s5 =	simm.s32 $_size__tile_overlayer_lowered;
	s6 =	simm.s32 $_tile_overlayer_lowered  }
0x13: {  	s23 =	simm.s32 $0x1BFF;
	s22 =	sshll.u32 s6, $0x1;
	s3 =	sadd.s32 s4, s20  }
0x14: {  	s7 =	simm.s32 $0x0;
	s21 =	sshll.u32 s5, $0x1;
	s5 =	sadd.s32 s22, s3  }
0x15: {  	[timem:s7], [sflag:s23] =	dma.local [hbm:s5], s21  }
0x16: {  	_ =	swait.ge [sflag:s23], s21  }
0x17: {  	s4 =	ssub.s32 $0x0, s21;
	[sflag:s23] =	ssyncset.done $0x0  }
0x18: {  	[sflag:s23] =	ssyncadd.s32 s4;
	_ =	sdelay $0x1  }
0x19: {  	s24 =	simm.s32 $0x1B8B  }
0x1a: {  	_ =	swait.ge [sflag:s24], $0x1  }
0x1b: {  	[sflag:s24] =	ssyncset.done $0x0  }
0x1c: {  	s26 =	simm.s32 $0x1B8E;
	s25 =	sld [smem:$0x3FFE];
	[sflag:s24] =	ssyncadd.s32 $0xFFFFFFFF  }
0x1d: {  	s27 =	simm.s32 $execute0_lowered;
	[smem:$0x3FD2] =	sst s26  }
0x1e: {  	s5 =	sshll.u32 s27, $0x1;
	_ =	strace $0x80000049;
	[dreg:$0x1] =	wrdreg $0xFFFFFFFF  }
0x1f: {  	s28 =	simm.s32 $_size_execute0_lowered;
	s3 =	sadd.s32 s3, s5;
	[dreg:$0x0] =	wrdreg $0x0  }
0x20: {  	s5 =	sshll.u32 s28, $0x1;
	[dreg:$0x2] =	wrdreg s3  }
0x21: {  	[dreg:$0x3] =	wrdreg s5  }
0x22: {  	[dreg:$0x4] =	wrdreg $0xC0  }
0x23: {  	_ =	task [dreg:s7], $0x5FFFF  }
0x24: {  	[dreg:$0x1] =	wrdreg $0xFFFFFFFF  }
0x25: {  	[dreg:$0x0] =	wrdreg $0x60  }
0x26: {  	[dreg:$0x2] =	wrdreg s25  }
0x27: {  	[dreg:$0x3] =	wrdreg s2  }
0x28: {  	[dreg:$0x4] =	wrdreg $0x9  }
0x29: {  	_ =	task.clear_ibuf [dreg:s7], $0x5FFFF;
	_ =	strace $0x90000049  }
0x2a: {  	s29 =	simm.s32 $0x9;
	_ =	strace $0x8000004B  }
0x2b: {  	_ =	swait.ge [sflag:s29], $0x1  }
0x2c: {  	[sflag:s29] =	ssyncadd.s32 $0xFFFFFFFF  }
0x2d: {  	_ =	strace $0x9000004B  }
0x2e: {  	_ =	sfence  }
0x2f: {  	s30 =	sld [smem:$0x0];
	_ =	sdelay $0x2  }
0x30: {  	s31 =	sshll.u32 s1, $0xD;
	s1 =	sshrl.u32 s1, $0x2  }
0x31: {  	s3 =	sand.u32 $0x4000, s31;
	s1 =	sadd.s32 s1, s30  }
0x32: {  	s0 =	sor.u32 s3, s0;
	s1 =	sshll.u32 s1, $0x11  }
0x33: {  	s0 =	sor.u32 s1, s0  }
0x34: {  	s0 =	sadd.s32 $0x8F2B, s0  }
0x35: {  	[sflag:s0] =	ssyncadd.remote.s32 $0x1  }
0x36: {  	_ =	sfence.sel $0xFFFF  }
0x37: {  	[dreg:$0x0] =	wrdreg $0xFFFFFFFF;
	(pc) =	sbr.abs _section_cstart, $3  }
0x38: {  	[dreg:$0x1] =	wrdreg $0xFFFFFFFF  }
0x39: {  	_ =	task.clear_ibuf [dreg:s7], $0x2FFFF;
	_ =	strace $0x9FFFFFFF  }
0x3a: {  	(tm) =	ssettm $0x7FFFFFFF  }
0x3b: {  	_ =	shalt  }
tec
execute0_lowered:
.L_overlay_start_1:
0x0: {  	(tag) =	ssettag $0x1  }
0x1: {  	s4 =	rddreg [dreg:$0x0]  }
0x2: {  	s0 =	srdreg.scid;
	s2 =	rddreg [dreg:$0x1]  }
0x3: {  	s1 =	stileid.u32;
	s5 =	simm.s32 $0x1;
	s7 =	simm.s32 $0x2  }
0x4: {  	s14 =	simm.s32 $0x0;
	p0 =	por $0x0, $0x0;
	s0 =	sshll.u32 s0, $0x4  }
0x5: {  	s13 =	simm.s32 $0x0;
	s8 =	simm.s32 $0x0;
	s3 =	sand.u32 $0x10, s0  }
.Ltmp0:
0x6: {  	s9 =	simm.s32 $0x0;
	s3 =	sor.u32 s1, s3;
	(pc) =	sbr.rel .LBB1_1-.Ltmp0, $4  }
0x7: {  	s11 =	simm.s32 $0x0;
	s12 =	simm.s32 $0x0;
	s3 =	sshll.u32 s3, $0x7  }
0x8: {  	s0 =	rddreg [dreg:$0x2];
	_ =	strace $0x8000004A;
	s6 =	ssub.s32 $0x18680, s3  }
0x9: {  	s4 =	sadd.s32 $0x187200, s4;
	[sflag:s5] =	ssyncpa.u1 $0x0;
	s6 =	sshrl.u32 s6, $0xC  }
0xa: {  	[sflag:s7] =	ssyncpa.u1 $0x0;
	s10 =	smov.u32 s3;
	s7 =	sadd.s32 $0x2, s6  }
.LBB1_5:
0xb: {  	p1 =	slt.u32 s12, $0x2  }
0xc: {  	p2 =	sgt.s32 @!p1 s14, $0x18620  }
0xd: {  	s15 =	smov.u32 s14;
	s16 =	sshra.s32 @!p1 s14, $0x1F;
	p2 =	por !p2, p1  }
0xe: {  	s14 =	sand.u32 @!p1 s16, s14;
	s15 =	simm.s32 @p2 $0x18620  }
0xf: {  	s14 =	ssub.s32 @!p1 s15, s14;
	s15 =	ssub.s32 @!p1 $0x0, s13  }
0x10: {  	s17 =	smov.u32 s11;
	s16 =	sadd.s32 @!p1 $0xFFFE79E0, s14;
	s13 =	smin.u32 @!p1 s13, s15  }
0x11: {  	s14 =	ssub.s32 @!p1 $0x186A0, s14;
	p2 =	sgt.s32 @!p1 s16, $0x7F;
	p3 =	sgt.s32 @!p1 s13, $0x7F  }
0x12: {  	s13 =	ssub.s32 @!p1 $0x80, s13;
	p2 =	por !p2, p1;
	p3 =	por !p3, p1  }
0x13: {  	s15 =	sadd.s32 $0x1000, s10;
	s14 =	simm.s32 @!p2 $0x0;
	s13 =	simm.s32 @!p3 $0x0  }
0x14: {  	p2 =	sgt.s32 s15, $0x1869F;
	s13 =	smul.u32 @!p1 s13, s14;
	s14 =	sadd.s32 $0x80, s11  }
0x15: {  	s17 =	smov.u32 @p2 s14  }
0x16: {  	s15 =	smov.u32 @p2 s3;
	p2 =	sgt.s32 s17, $0x7F  }
0x17: {  	s17 =	simm.s32 @p2 $0x0;
	p2 =	sne.s32 s12, s7  }
.Ltmp1:
0x18: {  	p0 =	por !p0, !p0;
	s16 =	simm.s32 @!p1 $0x2;
	(pc) =	sbr.rel @!p2 .LBB1_6-.Ltmp1, $4  }
0x19: {  	s14 =	smov.u32 s8;
	s8 =	smov.u32 s10;
	s13 =	sand.u32 @!p1 $0x3FFFFFFF, s13  }
0x1a: {  	s10 =	smov.u32 s15;
	_ =	swait.ge @!p1 [sflag:s16], s13;
	s18 =	ssub.s32 @!p1 $0x0, s13  }
0x1b: {  	s13 =	smov.u32 s9;
	s12 =	sadd.s32 $0x1, s12;
	[sflag:s16] =	ssyncset.done @!p1 $0x0  }
0x1c: {  	s9 =	smov.u32 s11;
	s11 =	smov.u32 s17;
	[sflag:s16] =	ssyncadd.s32 @!p1 s18  }
.LBB1_1:
0x1d: {  	p1 =	sgt.u32 s12, s6  }
0x1e: {  	s15 =	sshrl.u32 @!p1 s11, $0x3  }
0x1f: {  	s16 =	sshll.u32 @!p1 s10, $0x3;
	s15 =	smul.u32 @!p1 $0xC3800, s15  }
0x20: {  	s17 =	sshll.u32 @!p1 s11, $0x7;
	s16 =	sand.u32 @!p1 $0xFFFFFC00, s16  }
0x21: {  	s15 =	sadd.s32 @!p1 s15, s16;
	s16 =	sand.u32 @!p1 $0x380, s17  }
0x22: {  	s17 =	sand.u32 @!p1 $0x7F, s10;
	s15 =	sor.u32 @!p1 s16, s15  }
0x23: {  	s16 =	sor.u32 @!p1 s17, s15  }
0x24: {  	s17 =	smulhi.u32 @!p1 $0xA79C7B17, s16;
	_ =	sdelay $0x1  }
0x25: {  	s15 =	smulhi.u32 @!p1 $0xA79C7B17, s15;
	s17 =	sshrl.u32 @!p1 s17, $0x10  }
0x26: {  	s17 =	smul.u32 @!p1 $0x18700, s17  }
0x27: {  	s18 =	sxor.u32 @!p1 $0xFFFFFFFF, s12;
	s15 =	sshrl.u32 @!p1 s15, $0x10  }
0x28: {  	s18 =	sshll.u32 @!p1 s18, $0xE;
	s15 =	sand.u32 @!p1 $0x7F, s15;
	s16 =	ssub.s32 @!p1 s16, s17  }
0x29: {  	s15 =	smul.u32 @!p1 $0x30E0, s15;
	s17 =	sshrl.u32 @!p1 s16, $0x3;
	s16 =	sand.u32 @!p1 $0x7, s16  }
0x2a: {  	s18 =	sand.u32 @!p1 $0x4000, s18;
	s17 =	sadd.s32 @!p1 s4, s17;
	s16 =	sshll.u32 @!p1 s16, $0x12  }
0x2b: {  	s15 =	sadd.s32 @!p1 s15, s17;
	s16 =	sor.u32 @!p1 $0x400, s16;
	s17 =	simm.s32 @!p1 $0xC3800  }
0x2c: {  	[tilespmem:s18], [sflag:$0x1] =	stream.strided.gather @!p1 [hbm4b:s15+s16], $0x4000, s17, s16, $0x38;
	[tilespmem:$0x10100] =	vst v63  }
0x2d: {  	p1 =	seq.s32 s12, $0x0  }
0x2e: {  	p2 =	sge.u32 @!p1 s12, s7  }
0x2f: {  	p1 =	por p1, p2  }
.Ltmp2:
0x30: {  	_ = 	snop;
	(pc) =	sbr.rel @p1 .LBB1_5-.Ltmp2, $1  }
0x31: {  	_ =	sdelay $0x3  }
0x32: {  	s15 =	simm.s32 $0x1  }
0x33: {  	_ =	swait.ge [sflag:s5], $0x4000;
	s15 =	simm.s32 @!p0 $0x0  }
0x34: {  	[sflag:s5] =	ssyncset.done $0x0;
	s16 =	sshll.u32 s15, $0xE  }
0x35: {  	[sflag:s5] =	ssyncadd.s32 $0xFFFFC000;
	s16 =	sor.u32 $0x40, s16  }
0x36: {  	s15 =	smul.u32 $0x10200, s15;
	v0 =	vld [tilespmem:s16+$0x30]  }
0x37: {  	v1 =	vld [tilespmem:s16+$0xFFFFFFD0]  }
0x38: {  	s15 =	sshrl.u32 s15, $0x2;
	v5 =	vld [tilespmem:s16+$0xFFFFFFE0]  }
0x39: {  	v6 =	vld [tilespmem:s16+$0xFFFFFFF0];
	s18 =	sor.u32 $0x8000, s15  }
0x3a: {  	s31 =	sand.u32 $0x1, s12;
	v4 =	vld [tilespmem:s16+$0x0];
	s17 =	sadd.s32 $0x0, s18  }
0x3b: {  	v3 =	vld [tilespmem:s16+$0x10];
	s15 =	smul.u32 $0x10200, s31;
	[tilespmem:s17+$0x3870 ss:$0x81] =	vst.msk $0xffff, v0  }
0x3c: {  	v2 =	vld [tilespmem:s16+$0x20];
	[tilespmem:s17+$0x810 ss:$0x81] =	vst.msk $0xffff, v1  }
0x3d: {  	s15 =	sshrl.u32 s15, $0x2;
	v0 =	vld [tilespmem:s16+$0xFFFFFFC0];
	[tilespmem:s17+$0x1020 ss:$0x81] =	vst.msk $0xffff, v5;
	s16 =	sadd.s32 $0x80, s16  }
0x3e: {  	s19 =	simm.s32 $0x4;
	s20 =	simm.s32 $0x8;
	s15 =	sor.u32 $0x8000, s15;
	[tilespmem:s17+$0x1830 ss:$0x81] =	vst.msk $0xffff, v6;
	v1 =	vld [tilespmem:s16+$0x30]  }
.LBB1_3:
0x3f: {  	p1 =	sne.s32 s20, $0x1FC;
	v5 =	vld [tilespmem:s16+$0xFFFFFFD0];
	[tilespmem:s17+$0x2040 ss:$0x81] =	vst.msk $0xffff, v4  }
0x40: {  	v6 =	vld [tilespmem:s16+$0xFFFFFFE0];
	[tilespmem:s17+$0x2850 ss:$0x81] =	vst.msk $0xffff, v3  }
0x41: {  	s21 =	sshra.s32 s19, $0x2;
	s19 =	smov.u32 s20;
	v7 =	vld [tilespmem:s16+$0xFFFFFFF0];
	[tilespmem:s17+$0x3060 ss:$0x81] =	vst.msk $0xffff, v2  }
.Ltmp3:
0x42: {  	v4 =	vld [tilespmem:s16+$0x0];
	[tilespmem:s17+$0x0 ss:$0x81] =	vst.msk $0xffff, v0;
	s17 =	sadd.s32 s21, s18;
	(pc) =	sbr.rel @p1 .LBB1_3-.Ltmp3, $4  }
0x43: {  	v3 =	vld [tilespmem:s16+$0x10];
	[tilespmem:s17+$0x3870 ss:$0x81] =	vst.msk $0xffff, v1  }
0x44: {  	[tilespmem:s17+$0x810 ss:$0x81] =	vst.msk $0xffff, v5;
	v2 =	vld [tilespmem:s16+$0x20]  }
0x45: {  	v0 =	vld [tilespmem:s16+$0xFFFFFFC0];
	[tilespmem:s17+$0x1020 ss:$0x81] =	vst.msk $0xffff, v6;
	s16 =	sadd.s32 $0x80, s16  }
0x46: {  	s20 =	sadd.s32 $0x4, s20;
	v1 =	vld [tilespmem:s16+$0x30];
	[tilespmem:s17+$0x1830 ss:$0x81] =	vst.msk $0xffff, v7  }
0x47: {  	s20 =	sshll.u32 s8, $0x7;
	s21 =	sshll.u32 s9, $0x3;
	s19 =	sshra.s32 s19, $0x2  }
0x48: {  	v5 =	vld [tilespmem:s16+$0xFFFFFFD0];
	[tilespmem:s17+$0x2040 ss:$0x81] =	vst.msk $0xffff, v4;
	p1 =	sgt.s32 s8, $0x18620;
	s22 =	sand.u32 $0xFFFFFC00, s20;
	s21 =	sand.u32 $0xFFFFFC00, s21  }
0x49: {  	v58 =	vld [tilespmem:s16+$0xFFFFFFE0];
	s24 =	sshra.s32 s8, $0x1F;
	s20 =	sand.u32 $0x380, s20;
	[tilespmem:s17+$0x2850 ss:$0x81] =	vst.msk $0xffff, v3;
	s21 =	sadd.s32 s21, s22  }
0x4a: {  	v59 =	vld [tilespmem:s16+$0xFFFFFFF0];
	s26 =	ssub.s32 $0x0, s9;
	s18 =	sadd.s32 s19, s18;
	[tilespmem:s17+$0x3060 ss:$0x81] =	vst.msk $0xffff, v2;
	s23 =	sor.u32 s20, s21  }
0x4b: {  	v60 =	vld [tilespmem:s16+$0x0];
	s28 =	smin.u32 s9, s26;
	s20 =	smov.u32 s8;
	[tilespmem:s17+$0x0 ss:$0x81] =	vst.msk $0xffff, v0;
	s19 =	sshrl.u32 s23, $0x7  }
0x4c: {  	v61 =	vld [tilespmem:s16+$0x10];
	s21 =	sand.u32 s24, s8;
	s20 =	simm.s32 @!p1 $0x18620;
	[tilespmem:s18+$0x3870 ss:$0x81] =	vst.msk $0xffff, v1;
	s25 =	smulhi.u32 $0x14F8B59, s19  }
0x4d: {  	v62 =	vld [tilespmem:s16+$0x20];
	s29 =	sshrl.u32 s9, $0x3;
	p2 =	sgt.s32 s28, $0x7F;
	s20 =	ssub.s32 s20, s21;
	[tilespmem:s18+$0x810 ss:$0x81] =	vst.msk $0xffff, v5  }
0x4e: {  	v63 =	vld [tilespmem:s16+$0xFFFFFFC0];
	[tilespmem:s18+$0x1020 ss:$0x81] =	vst.msk $0xffff, v58;
	s21 =	sadd.s32 $0xFFFE79E0, s20;
	s20 =	ssub.s32 $0x186A0, s20;
	s17 =	sshrl.u32 s25, $0x9  }
0x4f: {  	[tilespmem:s18+$0x1830 ss:$0x81] =	vst.msk $0xffff, v59;
	p1 =	sgt.s32 s21, $0x7F;
	s27 =	smul.u32 $0x186A0, s17;
	s17 =	ssub.s32 $0x80, s28  }
.Ltmp4:
0x50: {  	[tilespmem:s18+$0x2040 ss:$0x81] =	vst.msk $0xffff, v60;
	s20 =	simm.s32 @p1 $0x0;
	s17 =	simm.s32 @p2 $0x0;
	(pc) =	sbr.rel .LBB1_5-.Ltmp4, $4  }
0x51: {  	s30 =	sand.u32 $0xF, s29;
	[tilespmem:s18+$0x2850 ss:$0x81] =	vst.msk $0xffff, v61;
	s16 =	ssub.s32 s19, s27;
	s17 =	smul.u32 s17, s20  }
0x52: {  	[tilespmem:s18+$0x3060 ss:$0x81] =	vst.msk $0xffff, v62;
	s19 =	sadd.s32 s2, s30;
	s16 =	sshll.u32 s16, $0x4  }
0x53: {  	s31 =	sand.u32 $0x7, s9;
	[tilespmem:s18+$0x0 ss:$0x81] =	vst.msk $0xffff, v63;
	s17 =	sand.u32 $0x3FFFFFFF, s17;
	s16 =	sadd.s32 s16, s19  }
0x54: {  	[hbm4b:s16+s31] =	stream.linear.scatter [tilespmem:s15], [sflag:$0x2], s17, $0x20;
	[tilespmem:$0x10100] =	vst v63  }
.LBB1_6:
0x55: {  	_ =	sfence.sel $0x180000  }
0x56: {  	s2 =	simm.s32 $0x1;
	[bflag:$0x0] =	sbarrier.arrive $0xFFFF  }
0x57: {  	s31 =	simm.s32 $0x2;
	[sflag:s2] =	ssyncpa.u1 $0x1  }
0x58: {  	[sflag:s31] =	ssyncpa.u1 $0x1  }
0x59: {  	p0 =	sne.s32 s1, $0x0;
	_ =	strace $0x9000004A  }
0x5a: {  	s0 =	sadd.s32 @!p0 $0x100000, s0;
	[bflag:$0x2] =	sbarrier.arrive $0xFFFF  }
0x5b: {  	[sflag:s0] =	ssyncadd.tile.s32 @!p0 $0x1;
	_ =	shalt  }
.Lfunc_end1:
_tile_overlayer_lowered:
.L_overlay_start_2:
0x5c: {  	(tag) =	ssettag $0x2  }
0x5d: {  	s0 =	rddreg [dreg:$0x0];
	s2 =	stileid.u32  }
0x5e: {  	s1 =	rddreg [dreg:$0x1];
	p0 =	sne.s32 s2, $0x0  }
0x5f: {  	s3 =	rddreg [dreg:$0x2];
	[bflag:$0x3] =	sbarrier.arrive $0xFFFF;
	s2 =	simm.s32 @!p0 $0x1C01  }
0x60: {  	[timem:s3], [sflag:s2] =	dma.local @!p0 [hbm:s0], s1  }
0x61: {  	s0 =	simm.s32 @!p0 $0x1  }
0x62: {  	_ =	swait.ge @!p0 [sflag:s0], s1  }
0x63: {  	s1 =	ssub.s32 @!p0 $0x0, s1;
	[sflag:s0] =	ssyncset.done @!p0 $0x0  }
0x64: {  	[sflag:s0] =	ssyncadd.s32 @!p0 s1  }
0x65: {  	[bflag:$0x3] =	sbarrier.arrive $0xFFFF  }
0x66: {  	_ =	shalt  }

</sc_bundles>
